<compile_context>
chip_gen: v7x
topology: tpu7x:2x2x1
jax: 0.10.2.dev20260603
libtpu: 0.0.44.dev20260713+nightly
codegen_flags: <defaults>
</compile_context>

<pallas_src>
import jax
import jax.numpy as jnp
from jax import lax
from jax.experimental import pallas as pl
from jax.experimental.pallas import tpu as pltpu
from jax.experimental.pallas import tpu_sc as plsc

_NC = 2
_NS = 16
_NW = _NC * _NS
_D = 64
_E = 16
_SE = 8
_SLAB = 800
_NBUF = 2
_BL = 3200


def _sc_gather_body(table_hbm, idx_hbm, e_hbm, table_v, idx_v, sbuf,
                    ssem0, ssem1):
    ssem = (ssem0, ssem1)
    wid = lax.axis_index("s") * _NC + lax.axis_index("c")
    rows_w = idx_hbm.shape[0] // _NW
    ngroups = rows_w // _SLAB
    erow0 = wid * (rows_w * _E // 128)
    erows_slab = _SLAB * _E // 128

    pltpu.sync_copy(table_hbm, table_v)
    pltpu.sync_copy(idx_hbm.at[pl.ds(wid * rows_w, rows_w)], idx_v)

    zv = jnp.zeros((16,), jnp.float32)

    def zrow(r, carry):
        for bb in range(_NBUF):
            for l in range(128 // 16):
                sbuf[bb, r, pl.ds(l * 16, 16)] = zv
        return carry

    lax.fori_loop(0, erows_slab, zrow, 0)

    iota = lax.broadcasted_iota(jnp.int32, (16,), 0)
    colvecs = [(iota & 7) * _E + c for c in range(_SE)]
    rowhalf = iota >> 3

    def scatter_copy(g, b):
        return pltpu.make_async_copy(
            sbuf.at[b],
            e_hbm.at[pl.ds(erow0 + g * erows_slab, erows_slab)],
            ssem[b],
        )

    def fill_slab(g, b):
        @plsc.parallel_loop(0, _SLAB // 16, unroll=2)
        def trow(t):
            idxv = idx_v[pl.ds(g * _SLAB + t * 16, 16)]
            srcbase = idxv * _E
            rowvec = rowhalf + t * 2
            for c in range(_SE):
                vals = plsc.load_gather(table_v, [srcbase + c])
                plsc.store_scatter(sbuf.at[b], [rowvec, colvecs[c]], vals)

    def step(i, carry):
        for b in range(_NBUF):
            g = i * _NBUF + b

            @pl.when(g >= _NBUF)
            def _():
                scatter_copy(g - _NBUF, b).wait()

            fill_slab(g, b)
            scatter_copy(g, b).start()
        return carry

    lax.fori_loop(0, ngroups // _NBUF, step, 0)
    scatter_copy(ngroups - 2, (ngroups - 2) % _NBUF).wait()
    scatter_copy(ngroups - 1, (ngroups - 1) % _NBUF).wait()


def _tc_proj_body(e_ref, w_ref, b_ref, o_ref):
    e = e_ref[...]
    o4 = o_ref.reshape(_BL, 128 // _E, _D)
    for j in range(128 // _E):
        o4[:, j, :] = (
            jnp.dot(e[:, _E * j:_E * (j + 1)], w_ref[...],
                    preferred_element_type=jnp.float32)
            + b_ref[...]
        )


def kernel(src, table, W, b):
    B, S = src.shape
    total = B * S
    rpb = 128 // _E
    ne = total // rpb

    table16 = jnp.pad(table, ((0, 0), (0, _E - table.shape[1]))).reshape(-1)
    idx = src.reshape(total)

    e2 = pl.kernel(
        _sc_gather_body,
        out_type=jax.ShapeDtypeStruct((ne, 128), jnp.float32),
        mesh=plsc.VectorSubcoreMesh(core_axis_name="c", subcore_axis_name="s"),
        compiler_params=pltpu.CompilerParams(
            use_tc_tiling_on_sc=False, needs_layout_passes=False),
        scratch_types=[
            pltpu.VMEM(table16.shape, jnp.float32),
            pltpu.VMEM((total // _NW,), jnp.int32),
            pltpu.VMEM((_NBUF, _SLAB * _E // 128, 128), jnp.float32),
            pltpu.SemaphoreType.DMA,
            pltpu.SemaphoreType.DMA,
        ],
    )(table16, idx)

    w16 = jnp.pad(W.T, ((0, _E - W.shape[1]), (0, 0)))
    out = pl.pallas_call(
        _tc_proj_body,
        grid=(ne // _BL,),
        in_specs=[
            pl.BlockSpec((_BL, 128), lambda i: (i, 0)),
            pl.BlockSpec((_E, _D), lambda i: (0, 0)),
            pl.BlockSpec((1, _D), lambda i: (0, 0)),
        ],
        out_specs=pl.BlockSpec((_BL * rpb, _D), lambda i: (i, 0)),
        out_shape=jax.ShapeDtypeStruct((total, _D), jnp.float32),
    )(e2, w16, b[None, :])
    return out.reshape(B, S, _D)

# --- scband reference (transcript-rebuilt; emitter-appended) ---
"""Pipeline reference for scband-ab-embeddings-32736240730164 (READ-ONLY COPY).

The authoritative reference and input builder live on the scoring server;
editing this copy changes nothing except your own understanding.
"""

import jax, jax.numpy as jnp
import numpy as np

NUM_TOKENS = 22
SMALL_EMB = 8
HIDDEN = 64
PAD_ID = 21
BATCH = 4096
SEQ = 200


def setup_inputs(seed: int = 0) -> dict:
    key = jax.random.key(seed)
    k1, k2, k3, k4 = jax.random.split(key, 4)
    src = jax.random.randint(k1, (BATCH, SEQ), 0, NUM_TOKENS, dtype=jnp.int32)
    # nn.Embedding weight (padding_idx row zero-initialized in torch)
    table = jax.random.normal(k2, (NUM_TOKENS, SMALL_EMB), dtype=jnp.float32)
    table = table.at[PAD_ID].set(0.0)
    # nn.Linear(small_embedding -> hidden_size): weight [out, in], bias [out]
    bound = 1.0 / np.sqrt(SMALL_EMB)
    W = jax.random.uniform(k3, (HIDDEN, SMALL_EMB), dtype=jnp.float32, minval=-bound, maxval=bound)
    b = jax.random.uniform(k4, (HIDDEN,), dtype=jnp.float32, minval=-bound, maxval=bound)
    return {"src": src, "table": table, "W": W, "b": b}


def reference(src, table, W, b):
    # AAEmbeddings: embedding gather
    inputs_embeds = jnp.take(table, src, axis=0)  # [B, S, small_emb]
    # UpEmbedding: linear 8 -> 64 ; Dropout is identity in eval mode
    out = jnp.einsum('bsd,hd->bsh', inputs_embeds, W) + b
    return out

if __name__ == "__main__":
    import jax
    _d = setup_inputs()
    print(jax.jit(kernel)(*tuple(_d.values())))

</pallas_src>

<mosaic_0001>
#map = affine_map<(d0, d1) -> (0)>
#map1 = affine_map<(d0, d1) -> (0, 0)>
module attributes {stable_mosaic.version = 14 : i64} {
  func.func @_sc_gather_body(%arg0: i32, %arg1: i32, %arg2: memref<352xf32, #tpu.memory_space<hbm>>, %arg3: memref<819200xi32, #tpu.memory_space<hbm>>, %arg4: memref<102400x128xf32, #tpu.memory_space<hbm>>, %arg5: memref<352xf32, #tpu.memory_space<vmem>>, %arg6: memref<25600xi32, #tpu.memory_space<vmem>>, %arg7: memref<2x100x128xf32, #tpu.memory_space<vmem>>, %arg8: memref<!tpu.dma_semaphore, #tpu.memory_space<semaphore_mem>>, %arg9: memref<!tpu.dma_semaphore, #tpu.memory_space<semaphore_mem>>) attributes {dimension_semantics = [#tpu.dimension_semantics<core_parallel>, #tpu.dimension_semantics<subcore_parallel>], iteration_bounds = array<i64: 2, 16>, scalar_prefetch = 0 : i64, scratch_operands = 5 : i64, tpu.core_type = #tpu.core_type<sc_vector_subcore>, window_params = [{transform_indices = #map}, {transform_indices = #map}, {transform_indices = #map1}]} {
    %mul3A = arith.constant 2 : i32
    %mul3A_0 = arith.muli %arg1, %mul3A : i32
    %add3A = arith.addi %mul3A_0, %arg0 : i32
    %mul3A_1 = arith.constant 3200 : i32
    %mul3A_2 = arith.muli %add3A, %mul3A_1 : i32
    "tpu.region"() ({
      %run_scoped3A = tpu.sem_alloc : memref<!tpu.dma_semaphore, #tpu.memory_space<semaphore_mem>>
      tpu.enqueue_dma source(%arg2 : memref<352xf32, #tpu.memory_space<hbm>>) target(%arg5 : memref<352xf32, #tpu.memory_space<vmem>>) target_semaphore(%run_scoped3A : memref<!tpu.dma_semaphore, #tpu.memory_space<semaphore_mem>>)
      tpu.wait_dma2 semaphore(%run_scoped3A : memref<!tpu.dma_semaphore, #tpu.memory_space<semaphore_mem>>) src(%arg2 : memref<352xf32, #tpu.memory_space<hbm>>) dst(%arg5 : memref<352xf32, #tpu.memory_space<vmem>>)
      tpu.yield
    }) : () -> ()
    %mul3A_3 = arith.constant 25600 : i32
    %mul3A_4 = arith.muli %add3A, %mul3A_3 : i32
    "tpu.region"() ({
      %run_scoped3A = tpu.sem_alloc : memref<!tpu.dma_semaphore, #tpu.memory_space<semaphore_mem>>
      %dma_start3A = tpu.memref_slice %arg3[%mul3A_4] : memref<819200xi32, #tpu.memory_space<hbm>> -> memref<25600xi32, #tpu.memory_space<hbm>>
      %dma_start3A_119 = tpu.memref_slice %arg3[%mul3A_4] : memref<819200xi32, #tpu.memory_space<hbm>> -> memref<25600xi32, #tpu.memory_space<hbm>>
      tpu.enqueue_dma source(%dma_start3A_119 : memref<25600xi32, #tpu.memory_space<hbm>>) target(%arg6 : memref<25600xi32, #tpu.memory_space<vmem>>) target_semaphore(%run_scoped3A : memref<!tpu.dma_semaphore, #tpu.memory_space<semaphore_mem>>)
      %dma_wait3A_120 = tpu.memref_slice %arg3[%mul3A_4] : memref<819200xi32, #tpu.memory_space<hbm>> -> memref<25600xi32, #tpu.memory_space<hbm>>
      %dma_wait3A_121 = tpu.memref_slice %arg3[%mul3A_4] : memref<819200xi32, #tpu.memory_space<hbm>> -> memref<25600xi32, #tpu.memory_space<hbm>>
      tpu.wait_dma2 semaphore(%run_scoped3A : memref<!tpu.dma_semaphore, #tpu.memory_space<semaphore_mem>>) src(%dma_wait3A_121 : memref<25600xi32, #tpu.memory_space<hbm>>) dst(%arg6 : memref<25600xi32, #tpu.memory_space<vmem>>)
      tpu.yield
    }) : () -> ()
    %broadcast_in_dim3A = arith.constant 0.000000e+00 : f32
    %broadcast_in_dim3A_5 = vector.broadcast %broadcast_in_dim3A : f32 to vector<16xf32>
    %scan3A = arith.constant 0 : i32
    %scan3A_6 = arith.constant 0 : i32
    %scan3A_7 = arith.constant 100 : i32
    %scan3A_8 = arith.addi %scan3A_6, %scan3A_7 : i32
    %scan3A_9 = arith.constant 1 : i32
    scf.for %scan3A_119 = %scan3A_6 to %scan3A_8 step %scan3A_9  : i32 {
      %swap3A = arith.constant 0 : i32
      %swap3A_120 = arith.index_cast %swap3A : i32 to index
      %swap3A_121 = arith.index_cast %scan3A_119 : i32 to index
      %swap3A_122 = arith.constant 0 : index
      %swap3A_123 = tpu.vector_load %arg7[%swap3A_120, %swap3A_121, %swap3A_122] {strides = array<i32>} : memref<2x100x128xf32, #tpu.memory_space<vmem>>, vector<16xf32>,
      tpu.vector_store %arg7[%swap3A_120, %swap3A_121, %swap3A_122], %broadcast_in_dim3A_5 {strides = array<i32>} : memref<2x100x128xf32, #tpu.memory_space<vmem>>, vector<16xf32>,
      %swap3A_124 = arith.constant 0 : i32
      %swap3A_125 = arith.index_cast %swap3A_124 : i32 to index
      %swap3A_126 = arith.index_cast %scan3A_119 : i32 to index
      %swap3A_127 = arith.constant 16 : index
      %swap3A_128 = tpu.vector_load %arg7[%swap3A_125, %swap3A_126, %swap3A_127] {strides = array<i32>} : memref<2x100x128xf32, #tpu.memory_space<vmem>>, vector<16xf32>,
      tpu.vector_store %arg7[%swap3A_125, %swap3A_126, %swap3A_127], %broadcast_in_dim3A_5 {strides = array<i32>} : memref<2x100x128xf32, #tpu.memory_space<vmem>>, vector<16xf32>,
      %swap3A_129 = arith.constant 0 : i32
      %swap3A_130 = arith.index_cast %swap3A_129 : i32 to index
      %swap3A_131 = arith.index_cast %scan3A_119 : i32 to index
      %swap3A_132 = arith.constant 32 : index
      %swap3A_133 = tpu.vector_load %arg7[%swap3A_130, %swap3A_131, %swap3A_132] {strides = array<i32>} : memref<2x100x128xf32, #tpu.memory_space<vmem>>, vector<16xf32>,
      tpu.vector_store %arg7[%swap3A_130, %swap3A_131, %swap3A_132], %broadcast_in_dim3A_5 {strides = array<i32>} : memref<2x100x128xf32, #tpu.memory_space<vmem>>, vector<16xf32>,
      %swap3A_134 = arith.constant 0 : i32
      %swap3A_135 = arith.index_cast %swap3A_134 : i32 to index
      %swap3A_136 = arith.index_cast %scan3A_119 : i32 to index
      %swap3A_137 = arith.constant 48 : index
      %swap3A_138 = tpu.vector_load %arg7[%swap3A_135, %swap3A_136, %swap3A_137] {strides = array<i32>} : memref<2x100x128xf32, #tpu.memory_space<vmem>>, vector<16xf32>,
      tpu.vector_store %arg7[%swap3A_135, %swap3A_136, %swap3A_137], %broadcast_in_dim3A_5 {strides = array<i32>} : memref<2x100x128xf32, #tpu.memory_space<vmem>>, vector<16xf32>,
      %swap3A_139 = arith.constant 0 : i32
      %swap3A_140 = arith.index_cast %swap3A_139 : i32 to index
      %swap3A_141 = arith.index_cast %scan3A_119 : i32 to index
      %swap3A_142 = arith.constant 64 : index
      %swap3A_143 = tpu.vector_load %arg7[%swap3A_140, %swap3A_141, %swap3A_142] {strides = array<i32>} : memref<2x100x128xf32, #tpu.memory_space<vmem>>, vector<16xf32>,
      tpu.vector_store %arg7[%swap3A_140, %swap3A_141, %swap3A_142], %broadcast_in_dim3A_5 {strides = array<i32>} : memref<2x100x128xf32, #tpu.memory_space<vmem>>, vector<16xf32>,
      %swap3A_144 = arith.constant 0 : i32
      %swap3A_145 = arith.index_cast %swap3A_144 : i32 to index
      %swap3A_146 = arith.index_cast %scan3A_119 : i32 to index
      %swap3A_147 = arith.constant 80 : index
      %swap3A_148 = tpu.vector_load %arg7[%swap3A_145, %swap3A_146, %swap3A_147] {strides = array<i32>} : memref<2x100x128xf32, #tpu.memory_space<vmem>>, vector<16xf32>,
      tpu.vector_store %arg7[%swap3A_145, %swap3A_146, %swap3A_147], %broadcast_in_dim3A_5 {strides = array<i32>} : memref<2x100x128xf32, #tpu.memory_space<vmem>>, vector<16xf32>,
      %swap3A_149 = arith.constant 0 : i32
      %swap3A_150 = arith.index_cast %swap3A_149 : i32 to index
      %swap3A_151 = arith.index_cast %scan3A_119 : i32 to index
      %swap3A_152 = arith.constant 96 : index
      %swap3A_153 = tpu.vector_load %arg7[%swap3A_150, %swap3A_151, %swap3A_152] {strides = array<i32>} : memref<2x100x128xf32, #tpu.memory_space<vmem>>, vector<16xf32>,
      tpu.vector_store %arg7[%swap3A_150, %swap3A_151, %swap3A_152], %broadcast_in_dim3A_5 {strides = array<i32>} : memref<2x100x128xf32, #tpu.memory_space<vmem>>, vector<16xf32>,
      %swap3A_154 = arith.constant 0 : i32
      %swap3A_155 = arith.index_cast %swap3A_154 : i32 to index
      %swap3A_156 = arith.index_cast %scan3A_119 : i32 to index
      %swap3A_157 = arith.constant 112 : index
      %swap3A_158 = tpu.vector_load %arg7[%swap3A_155, %swap3A_156, %swap3A_157] {strides = array<i32>} : memref<2x100x128xf32, #tpu.memory_space<vmem>>, vector<16xf32>,
      tpu.vector_store %arg7[%swap3A_155, %swap3A_156, %swap3A_157], %broadcast_in_dim3A_5 {strides = array<i32>} : memref<2x100x128xf32, #tpu.memory_space<vmem>>, vector<16xf32>,
      %swap3A_159 = arith.constant 1 : i32
      %swap3A_160 = arith.index_cast %swap3A_159 : i32 to index
      %swap3A_161 = arith.index_cast %scan3A_119 : i32 to index
      %swap3A_162 = arith.constant 0 : index
      %swap3A_163 = tpu.vector_load %arg7[%swap3A_160, %swap3A_161, %swap3A_162] {strides = array<i32>} : memref<2x100x128xf32, #tpu.memory_space<vmem>>, vector<16xf32>,
      tpu.vector_store %arg7[%swap3A_160, %swap3A_161, %swap3A_162], %broadcast_in_dim3A_5 {strides = array<i32>} : memref<2x100x128xf32, #tpu.memory_space<vmem>>, vector<16xf32>,
      %swap3A_164 = arith.constant 1 : i32
      %swap3A_165 = arith.index_cast %swap3A_164 : i32 to index
      %swap3A_166 = arith.index_cast %scan3A_119 : i32 to index
      %swap3A_167 = arith.constant 16 : index
      %swap3A_168 = tpu.vector_load %arg7[%swap3A_165, %swap3A_166, %swap3A_167] {strides = array<i32>} : memref<2x100x128xf32, #tpu.memory_space<vmem>>, vector<16xf32>,
      tpu.vector_store %arg7[%swap3A_165, %swap3A_166, %swap3A_167], %broadcast_in_dim3A_5 {strides = array<i32>} : memref<2x100x128xf32, #tpu.memory_space<vmem>>, vector<16xf32>,
      %swap3A_169 = arith.constant 1 : i32
      %swap3A_170 = arith.index_cast %swap3A_169 : i32 to index
      %swap3A_171 = arith.index_cast %scan3A_119 : i32 to index
      %swap3A_172 = arith.constant 32 : index
      %swap3A_173 = tpu.vector_load %arg7[%swap3A_170, %swap3A_171, %swap3A_172] {strides = array<i32>} : memref<2x100x128xf32, #tpu.memory_space<vmem>>, vector<16xf32>,
      tpu.vector_store %arg7[%swap3A_170, %swap3A_171, %swap3A_172], %broadcast_in_dim3A_5 {strides = array<i32>} : memref<2x100x128xf32, #tpu.memory_space<vmem>>, vector<16xf32>,
      %swap3A_174 = arith.constant 1 : i32
      %swap3A_175 = arith.index_cast %swap3A_174 : i32 to index
      %swap3A_176 = arith.index_cast %scan3A_119 : i32 to index
      %swap3A_177 = arith.constant 48 : index
      %swap3A_178 = tpu.vector_load %arg7[%swap3A_175, %swap3A_176, %swap3A_177] {strides = array<i32>} : memref<2x100x128xf32, #tpu.memory_space<vmem>>, vector<16xf32>,
      tpu.vector_store %arg7[%swap3A_175, %swap3A_176, %swap3A_177], %broadcast_in_dim3A_5 {strides = array<i32>} : memref<2x100x128xf32, #tpu.memory_space<vmem>>, vector<16xf32>,
      %swap3A_179 = arith.constant 1 : i32
      %swap3A_180 = arith.index_cast %swap3A_179 : i32 to index
      %swap3A_181 = arith.index_cast %scan3A_119 : i32 to index
      %swap3A_182 = arith.constant 64 : index
      %swap3A_183 = tpu.vector_load %arg7[%swap3A_180, %swap3A_181, %swap3A_182] {strides = array<i32>} : memref<2x100x128xf32, #tpu.memory_space<vmem>>, vector<16xf32>,
      tpu.vector_store %arg7[%swap3A_180, %swap3A_181, %swap3A_182], %broadcast_in_dim3A_5 {strides = array<i32>} : memref<2x100x128xf32, #tpu.memory_space<vmem>>, vector<16xf32>,
      %swap3A_184 = arith.constant 1 : i32
      %swap3A_185 = arith.index_cast %swap3A_184 : i32 to index
      %swap3A_186 = arith.index_cast %scan3A_119 : i32 to index
      %swap3A_187 = arith.constant 80 : index
      %swap3A_188 = tpu.vector_load %arg7[%swap3A_185, %swap3A_186, %swap3A_187] {strides = array<i32>} : memref<2x100x128xf32, #tpu.memory_space<vmem>>, vector<16xf32>,
      tpu.vector_store %arg7[%swap3A_185, %swap3A_186, %swap3A_187], %broadcast_in_dim3A_5 {strides = array<i32>} : memref<2x100x128xf32, #tpu.memory_space<vmem>>, vector<16xf32>,
      %swap3A_189 = arith.constant 1 : i32
      %swap3A_190 = arith.index_cast %swap3A_189 : i32 to index
      %swap3A_191 = arith.index_cast %scan3A_119 : i32 to index
      %swap3A_192 = arith.constant 96 : index
      %swap3A_193 = tpu.vector_load %arg7[%swap3A_190, %swap3A_191, %swap3A_192] {strides = array<i32>} : memref<2x100x128xf32, #tpu.memory_space<vmem>>, vector<16xf32>,
      tpu.vector_store %arg7[%swap3A_190, %swap3A_191, %swap3A_192], %broadcast_in_dim3A_5 {strides = array<i32>} : memref<2x100x128xf32, #tpu.memory_space<vmem>>, vector<16xf32>,
      %swap3A_194 = arith.constant 1 : i32
      %swap3A_195 = arith.index_cast %swap3A_194 : i32 to index
      %swap3A_196 = arith.index_cast %scan3A_119 : i32 to index
      %swap3A_197 = arith.constant 112 : index
      %swap3A_198 = tpu.vector_load %arg7[%swap3A_195, %swap3A_196, %swap3A_197] {strides = array<i32>} : memref<2x100x128xf32, #tpu.memory_space<vmem>>, vector<16xf32>,
      tpu.vector_store %arg7[%swap3A_195, %swap3A_196, %swap3A_197], %broadcast_in_dim3A_5 {strides = array<i32>} : memref<2x100x128xf32, #tpu.memory_space<vmem>>, vector<16xf32>,
    }
    %scan3A_10 = arith.constant 100 : i32
    %iota3A = tpu.iota {dimensions = array<i32: 0>} : vector<16xi32>
    %and3A = arith.constant 7 : i32
    %and3A_11 = vector.broadcast %and3A : i32 to vector<16xi32>
    %and3A_12 = arith.andi %iota3A, %and3A_11 : vector<16xi32>
    %mul3A_13 = arith.constant 16 : i32
    %mul3A_14 = vector.broadcast %mul3A_13 : i32 to vector<16xi32>
    %mul3A_15 = arith.muli %and3A_12, %mul3A_14 : vector<16xi32>
    %add3A_16 = arith.constant 0 : i32
    %add3A_17 = vector.broadcast %add3A_16 : i32 to vector<16xi32>
    %add3A_18 = arith.addi %mul3A_15, %add3A_17 : vector<16xi32>
    %and3A_19 = arith.constant 7 : i32
    %and3A_20 = vector.broadcast %and3A_19 : i32 to vector<16xi32>
    %and3A_21 = arith.andi %iota3A, %and3A_20 : vector<16xi32>
    %mul3A_22 = arith.constant 16 : i32
    %mul3A_23 = vector.broadcast %mul3A_22 : i32 to vector<16xi32>
    %mul3A_24 = arith.muli %and3A_21, %mul3A_23 : vector<16xi32>
    %add3A_25 = arith.constant 1 : i32
    %add3A_26 = vector.broadcast %add3A_25 : i32 to vector<16xi32>
    %add3A_27 = arith.addi %mul3A_24, %add3A_26 : vector<16xi32>
    %and3A_28 = arith.constant 7 : i32
    %and3A_29 = vector.broadcast %and3A_28 : i32 to vector<16xi32>
    %and3A_30 = arith.andi %iota3A, %and3A_29 : vector<16xi32>
    %mul3A_31 = arith.constant 16 : i32
    %mul3A_32 = vector.broadcast %mul3A_31 : i32 to vector<16xi32>
    %mul3A_33 = arith.muli %and3A_30, %mul3A_32 : vector<16xi32>
    %add3A_34 = arith.constant 2 : i32
    %add3A_35 = vector.broadcast %add3A_34 : i32 to vector<16xi32>
    %add3A_36 = arith.addi %mul3A_33, %add3A_35 : vector<16xi32>
    %and3A_37 = arith.constant 7 : i32
    %and3A_38 = vector.broadcast %and3A_37 : i32 to vector<16xi32>
    %and3A_39 = arith.andi %iota3A, %and3A_38 : vector<16xi32>
    %mul3A_40 = arith.constant 16 : i32
    %mul3A_41 = vector.broadcast %mul3A_40 : i32 to vector<16xi32>
    %mul3A_42 = arith.muli %and3A_39, %mul3A_41 : vector<16xi32>
    %add3A_43 = arith.constant 3 : i32
    %add3A_44 = vector.broadcast %add3A_43 : i32 to vector<16xi32>
    %add3A_45 = arith.addi %mul3A_42, %add3A_44 : vector<16xi32>
    %and3A_46 = arith.constant 7 : i32
    %and3A_47 = vector.broadcast %and3A_46 : i32 to vector<16xi32>
    %and3A_48 = arith.andi %iota3A, %and3A_47 : vector<16xi32>
    %mul3A_49 = arith.constant 16 : i32
    %mul3A_50 = vector.broadcast %mul3A_49 : i32 to vector<16xi32>
    %mul3A_51 = arith.muli %and3A_48, %mul3A_50 : vector<16xi32>
    %add3A_52 = arith.constant 4 : i32
    %add3A_53 = vector.broadcast %add3A_52 : i32 to vector<16xi32>
    %add3A_54 = arith.addi %mul3A_51, %add3A_53 : vector<16xi32>
    %and3A_55 = arith.constant 7 : i32
    %and3A_56 = vector.broadcast %and3A_55 : i32 to vector<16xi32>
    %and3A_57 = arith.andi %iota3A, %and3A_56 : vector<16xi32>
    %mul3A_58 = arith.constant 16 : i32
    %mul3A_59 = vector.broadcast %mul3A_58 : i32 to vector<16xi32>
    %mul3A_60 = arith.muli %and3A_57, %mul3A_59 : vector<16xi32>
    %add3A_61 = arith.constant 5 : i32
    %add3A_62 = vector.broadcast %add3A_61 : i32 to vector<16xi32>
    %add3A_63 = arith.addi %mul3A_60, %add3A_62 : vector<16xi32>
    %and3A_64 = arith.constant 7 : i32
    %and3A_65 = vector.broadcast %and3A_64 : i32 to vector<16xi32>
    %and3A_66 = arith.andi %iota3A, %and3A_65 : vector<16xi32>
    %mul3A_67 = arith.constant 16 : i32
    %mul3A_68 = vector.broadcast %mul3A_67 : i32 to vector<16xi32>
    %mul3A_69 = arith.muli %and3A_66, %mul3A_68 : vector<16xi32>
    %add3A_70 = arith.constant 6 : i32
    %add3A_71 = vector.broadcast %add3A_70 : i32 to vector<16xi32>
    %add3A_72 = arith.addi %mul3A_69, %add3A_71 : vector<16xi32>
    %and3A_73 = arith.constant 7 : i32
    %and3A_74 = vector.broadcast %and3A_73 : i32 to vector<16xi32>
    %and3A_75 = arith.andi %iota3A, %and3A_74 : vector<16xi32>
    %mul3A_76 = arith.constant 16 : i32
    %mul3A_77 = vector.broadcast %mul3A_76 : i32 to vector<16xi32>
    %mul3A_78 = arith.muli %and3A_75, %mul3A_77 : vector<16xi32>
    %add3A_79 = arith.constant 7 : i32
    %add3A_80 = vector.broadcast %add3A_79 : i32 to vector<16xi32>
    %add3A_81 = arith.addi %mul3A_78, %add3A_80 : vector<16xi32>
    %shift_right_arithmetic3A = arith.constant 3 : i32
    %shift_right_arithmetic3A_82 = vector.broadcast %shift_right_arithmetic3A : i32 to vector<16xi32>
    %shift_right_arithmetic3A_83 = arith.shrsi %iota3A, %shift_right_arithmetic3A_82 : vector<16xi32>
    %scan3A_84 = arith.constant 0 : i32
    %scan3A_85 = arith.constant 0 : i32
    %scan3A_86 = arith.constant 16 : i32
    %scan3A_87 = arith.addi %scan3A_85, %scan3A_86 : i32
    %scan3A_88 = arith.constant 1 : i32
    scf.for %scan3A_119 = %scan3A_85 to %scan3A_87 step %scan3A_88  : i32 {
      %mul3A_120 = arith.constant 2 : i32
      %mul3A_121 = arith.muli %scan3A_119, %mul3A_120 : i32
      %add3A_122 = arith.constant 0 : i32
      %add3A_123 = arith.addi %mul3A_121, %add3A_122 : i32
      %ge3A = arith.constant 2 : i32
      %ge3A_124 = arith.cmpi sge, %add3A_123, %ge3A : i32
      %convert_element_type3A = arith.extui %ge3A_124 : i1 to i32
      %cond3A = arith.constant 0 : i32
      %cond3A_125 = arith.cmpi ne, %convert_element_type3A, %cond3A : i32
      scf.if %cond3A_125 {
        %sub3A = arith.constant 2 : i32
        %sub3A_171 = arith.subi %add3A_123, %sub3A : i32
        %mul3A_172 = arith.constant 100 : i32
        %mul3A_173 = arith.muli %sub3A_171, %mul3A_172 : i32
        %add3A_174 = arith.addi %mul3A_2, %mul3A_173 : i32
        %dma_wait3A_175 = arith.constant 0 : i32
        %dma_wait3A_176 = arith.constant 0 : i32
        %dma_wait3A_177 = arith.constant 0 : i32
        %dma_wait3A_178 = tpu.memref_slice %arg7[%dma_wait3A_175, %dma_wait3A_176, %dma_wait3A_177] : memref<2x100x128xf32, #tpu.memory_space<vmem>> -> memref<1x100x128xf32, #tpu.memory_space<vmem>>
        %dma_wait3A_179 = tpu.memref_squeeze %dma_wait3A_178 : memref<1x100x128xf32, #tpu.memory_space<vmem>> -> memref<100x128xf32, #tpu.memory_space<vmem>>
        %dma_wait3A_180 = arith.constant 0 : i32
        %dma_wait3A_181 = tpu.memref_slice %arg4[%add3A_174, %dma_wait3A_180] : memref<102400x128xf32, #tpu.memory_space<hbm>> -> memref<100x128xf32, #tpu.memory_space<hbm>>
        %dma_wait3A_182 = arith.constant 0 : i32
        %dma_wait3A_183 = tpu.memref_slice %arg4[%add3A_174, %dma_wait3A_182] : memref<102400x128xf32, #tpu.memory_space<hbm>> -> memref<100x128xf32, #tpu.memory_space<hbm>>
        %dma_wait3A_184 = arith.constant 0 : i32
        %dma_wait3A_185 = arith.constant 0 : i32
        %dma_wait3A_186 = tpu.memref_slice %arg7[%dma_wait3A_175, %dma_wait3A_184, %dma_wait3A_185] : memref<2x100x128xf32, #tpu.memory_space<vmem>> -> memref<1x100x128xf32, #tpu.memory_space<vmem>>
        %dma_wait3A_187 = tpu.memref_squeeze %dma_wait3A_186 : memref<1x100x128xf32, #tpu.memory_space<vmem>> -> memref<100x128xf32, #tpu.memory_space<vmem>>
        tpu.wait_dma2 semaphore(%arg8 : memref<!tpu.dma_semaphore, #tpu.memory_space<semaphore_mem>>) src(%dma_wait3A_187 : memref<100x128xf32, #tpu.memory_space<vmem>>) dst(%dma_wait3A_183 : memref<100x128xf32, #tpu.memory_space<hbm>>)
      } else {
      }
      %parallel_loop3A = arith.constant 0 : i32
      %parallel_loop3A_126 = arith.constant 50 : i32
      %parallel_loop3A_127 = arith.constant 1 : i32
      scf.for %parallel_loop3A_171 = %parallel_loop3A to %parallel_loop3A_126 step %parallel_loop3A_127  : i32 {
        %parallel_loop3A_172 = arith.constant 800 : i32
        %parallel_loop3A_173 = arith.muli %add3A_123, %parallel_loop3A_172 : i32
        %parallel_loop3A_174 = arith.constant 16 : i32
        %parallel_loop3A_175 = arith.muli %parallel_loop3A_171, %parallel_loop3A_174 : i32
        %parallel_loop3A_176 = arith.addi %parallel_loop3A_173, %parallel_loop3A_175 : i32
        %parallel_loop3A_177 = arith.index_cast %parallel_loop3A_176 : i32 to index
        %parallel_loop3A_178 = tpu.vector_load %arg6[%parallel_loop3A_177] {strides = array<i32>} : memref<25600xi32, #tpu.memory_space<vmem>>, vector<16xi32>,
        %parallel_loop3A_179 = arith.constant 16 : i32
        %parallel_loop3A_180 = vector.broadcast %parallel_loop3A_179 : i32 to vector<16xi32>
        %parallel_loop3A_181 = arith.muli %parallel_loop3A_178, %parallel_loop3A_180 : vector<16xi32>
        %parallel_loop3A_182 = arith.constant 2 : i32
        %parallel_loop3A_183 = arith.muli %parallel_loop3A_171, %parallel_loop3A_182 : i32
        %parallel_loop3A_184 = vector.broadcast %parallel_loop3A_183 : i32 to vector<16xi32>
        %parallel_loop3A_185 = arith.addi %shift_right_arithmetic3A_83, %parallel_loop3A_184 : vector<16xi32>
        %parallel_loop3A_186 = arith.constant 0 : i32
        %parallel_loop3A_187 = vector.broadcast %parallel_loop3A_186 : i32 to vector<16xi32>
        %parallel_loop3A_188 = arith.addi %parallel_loop3A_181, %parallel_loop3A_187 : vector<16xi32>
        %parallel_loop3A_189 = tpu.vector_load_idx %arg5[%parallel_loop3A_188] : memref<352xf32, #tpu.memory_space<vmem>>[vector<16xi32>], vector<16xf32>,
        %parallel_loop3A_190 = arith.constant 0 : i32
        %parallel_loop3A_191 = arith.constant 0 : i32
        %parallel_loop3A_192 = arith.constant 0 : i32
        %parallel_loop3A_193 = tpu.memref_slice %arg7[%parallel_loop3A_190, %parallel_loop3A_191, %parallel_loop3A_192] : memref<2x100x128xf32, #tpu.memory_space<vmem>> -> memref<1x100x128xf32, #tpu.memory_space<vmem>>
        %parallel_loop3A_194 = tpu.memref_squeeze %parallel_loop3A_193 : memref<1x100x128xf32, #tpu.memory_space<vmem>> -> memref<100x128xf32, #tpu.memory_space<vmem>>
        tpu.vector_store_idx %parallel_loop3A_194[%parallel_loop3A_185, %add3A_18], %parallel_loop3A_189 : memref<100x128xf32, #tpu.memory_space<vmem>>[vector<16xi32>, vector<16xi32>], vector<16xf32>,
        %parallel_loop3A_195 = arith.constant 1 : i32
        %parallel_loop3A_196 = vector.broadcast %parallel_loop3A_195 : i32 to vector<16xi32>
        %parallel_loop3A_197 = arith.addi %parallel_loop3A_181, %parallel_loop3A_196 : vector<16xi32>
        %parallel_loop3A_198 = tpu.vector_load_idx %arg5[%parallel_loop3A_197] : memref<352xf32, #tpu.memory_space<vmem>>[vector<16xi32>], vector<16xf32>,
        %parallel_loop3A_199 = arith.constant 0 : i32
        %parallel_loop3A_200 = arith.constant 0 : i32
        %parallel_loop3A_201 = arith.constant 0 : i32
        %parallel_loop3A_202 = tpu.memref_slice %arg7[%parallel_loop3A_199, %parallel_loop3A_200, %parallel_loop3A_201] : memref<2x100x128xf32, #tpu.memory_space<vmem>> -> memref<1x100x128xf32, #tpu.memory_space<vmem>>
        %parallel_loop3A_203 = tpu.memref_squeeze %parallel_loop3A_202 : memref<1x100x128xf32, #tpu.memory_space<vmem>> -> memref<100x128xf32, #tpu.memory_space<vmem>>
        tpu.vector_store_idx %parallel_loop3A_203[%parallel_loop3A_185, %add3A_27], %parallel_loop3A_198 : memref<100x128xf32, #tpu.memory_space<vmem>>[vector<16xi32>, vector<16xi32>], vector<16xf32>,
        %parallel_loop3A_204 = arith.constant 2 : i32
        %parallel_loop3A_205 = vector.broadcast %parallel_loop3A_204 : i32 to vector<16xi32>
        %parallel_loop3A_206 = arith.addi %parallel_loop3A_181, %parallel_loop3A_205 : vector<16xi32>
        %parallel_loop3A_207 = tpu.vector_load_idx %arg5[%parallel_loop3A_206] : memref<352xf32, #tpu.memory_space<vmem>>[vector<16xi32>], vector<16xf32>,
        %parallel_loop3A_208 = arith.constant 0 : i32
        %parallel_loop3A_209 = arith.constant 0 : i32
        %parallel_loop3A_210 = arith.constant 0 : i32
        %parallel_loop3A_211 = tpu.memref_slice %arg7[%parallel_loop3A_208, %parallel_loop3A_209, %parallel_loop3A_210] : memref<2x100x128xf32, #tpu.memory_space<vmem>> -> memref<1x100x128xf32, #tpu.memory_space<vmem>>
        %parallel_loop3A_212 = tpu.memref_squeeze %parallel_loop3A_211 : memref<1x100x128xf32, #tpu.memory_space<vmem>> -> memref<100x128xf32, #tpu.memory_space<vmem>>
        tpu.vector_store_idx %parallel_loop3A_212[%parallel_loop3A_185, %add3A_36], %parallel_loop3A_207 : memref<100x128xf32, #tpu.memory_space<vmem>>[vector<16xi32>, vector<16xi32>], vector<16xf32>,
        %parallel_loop3A_213 = arith.constant 3 : i32
        %parallel_loop3A_214 = vector.broadcast %parallel_loop3A_213 : i32 to vector<16xi32>
        %parallel_loop3A_215 = arith.addi %parallel_loop3A_181, %parallel_loop3A_214 : vector<16xi32>
        %parallel_loop3A_216 = tpu.vector_load_idx %arg5[%parallel_loop3A_215] : memref<352xf32, #tpu.memory_space<vmem>>[vector<16xi32>], vector<16xf32>,
        %parallel_loop3A_217 = arith.constant 0 : i32
        %parallel_loop3A_218 = arith.constant 0 : i32
        %parallel_loop3A_219 = arith.constant 0 : i32
        %parallel_loop3A_220 = tpu.memref_slice %arg7[%parallel_loop3A_217, %parallel_loop3A_218, %parallel_loop3A_219] : memref<2x100x128xf32, #tpu.memory_space<vmem>> -> memref<1x100x128xf32, #tpu.memory_space<vmem>>
        %parallel_loop3A_221 = tpu.memref_squeeze %parallel_loop3A_220 : memref<1x100x128xf32, #tpu.memory_space<vmem>> -> memref<100x128xf32, #tpu.memory_space<vmem>>
        tpu.vector_store_idx %parallel_loop3A_221[%parallel_loop3A_185, %add3A_45], %parallel_loop3A_216 : memref<100x128xf32, #tpu.memory_space<vmem>>[vector<16xi32>, vector<16xi32>], vector<16xf32>,
        %parallel_loop3A_222 = arith.constant 4 : i32
        %parallel_loop3A_223 = vector.broadcast %parallel_loop3A_222 : i32 to vector<16xi32>
        %parallel_loop3A_224 = arith.addi %parallel_loop3A_181, %parallel_loop3A_223 : vector<16xi32>
        %parallel_loop3A_225 = tpu.vector_load_idx %arg5[%parallel_loop3A_224] : memref<352xf32, #tpu.memory_space<vmem>>[vector<16xi32>], vector<16xf32>,
        %parallel_loop3A_226 = arith.constant 0 : i32
        %parallel_loop3A_227 = arith.constant 0 : i32
        %parallel_loop3A_228 = arith.constant 0 : i32
        %parallel_loop3A_229 = tpu.memref_slice %arg7[%parallel_loop3A_226, %parallel_loop3A_227, %parallel_loop3A_228] : memref<2x100x128xf32, #tpu.memory_space<vmem>> -> memref<1x100x128xf32, #tpu.memory_space<vmem>>
        %parallel_loop3A_230 = tpu.memref_squeeze %parallel_loop3A_229 : memref<1x100x128xf32, #tpu.memory_space<vmem>> -> memref<100x128xf32, #tpu.memory_space<vmem>>
        tpu.vector_store_idx %parallel_loop3A_230[%parallel_loop3A_185, %add3A_54], %parallel_loop3A_225 : memref<100x128xf32, #tpu.memory_space<vmem>>[vector<16xi32>, vector<16xi32>], vector<16xf32>,
        %parallel_loop3A_231 = arith.constant 5 : i32
        %parallel_loop3A_232 = vector.broadcast %parallel_loop3A_231 : i32 to vector<16xi32>
        %parallel_loop3A_233 = arith.addi %parallel_loop3A_181, %parallel_loop3A_232 : vector<16xi32>
        %parallel_loop3A_234 = tpu.vector_load_idx %arg5[%parallel_loop3A_233] : memref<352xf32, #tpu.memory_space<vmem>>[vector<16xi32>], vector<16xf32>,
        %parallel_loop3A_235 = arith.constant 0 : i32
        %parallel_loop3A_236 = arith.constant 0 : i32
        %parallel_loop3A_237 = arith.constant 0 : i32
        %parallel_loop3A_238 = tpu.memref_slice %arg7[%parallel_loop3A_235, %parallel_loop3A_236, %parallel_loop3A_237] : memref<2x100x128xf32, #tpu.memory_space<vmem>> -> memref<1x100x128xf32, #tpu.memory_space<vmem>>
        %parallel_loop3A_239 = tpu.memref_squeeze %parallel_loop3A_238 : memref<1x100x128xf32, #tpu.memory_space<vmem>> -> memref<100x128xf32, #tpu.memory_space<vmem>>
        tpu.vector_store_idx %parallel_loop3A_239[%parallel_loop3A_185, %add3A_63], %parallel_loop3A_234 : memref<100x128xf32, #tpu.memory_space<vmem>>[vector<16xi32>, vector<16xi32>], vector<16xf32>,
        %parallel_loop3A_240 = arith.constant 6 : i32
        %parallel_loop3A_241 = vector.broadcast %parallel_loop3A_240 : i32 to vector<16xi32>
        %parallel_loop3A_242 = arith.addi %parallel_loop3A_181, %parallel_loop3A_241 : vector<16xi32>
        %parallel_loop3A_243 = tpu.vector_load_idx %arg5[%parallel_loop3A_242] : memref<352xf32, #tpu.memory_space<vmem>>[vector<16xi32>], vector<16xf32>,
        %parallel_loop3A_244 = arith.constant 0 : i32
        %parallel_loop3A_245 = arith.constant 0 : i32
        %parallel_loop3A_246 = arith.constant 0 : i32
        %parallel_loop3A_247 = tpu.memref_slice %arg7[%parallel_loop3A_244, %parallel_loop3A_245, %parallel_loop3A_246] : memref<2x100x128xf32, #tpu.memory_space<vmem>> -> memref<1x100x128xf32, #tpu.memory_space<vmem>>
        %parallel_loop3A_248 = tpu.memref_squeeze %parallel_loop3A_247 : memref<1x100x128xf32, #tpu.memory_space<vmem>> -> memref<100x128xf32, #tpu.memory_space<vmem>>
        tpu.vector_store_idx %parallel_loop3A_248[%parallel_loop3A_185, %add3A_72], %parallel_loop3A_243 : memref<100x128xf32, #tpu.memory_space<vmem>>[vector<16xi32>, vector<16xi32>], vector<16xf32>,
        %parallel_loop3A_249 = arith.constant 7 : i32
        %parallel_loop3A_250 = vector.broadcast %parallel_loop3A_249 : i32 to vector<16xi32>
        %parallel_loop3A_251 = arith.addi %parallel_loop3A_181, %parallel_loop3A_250 : vector<16xi32>
        %parallel_loop3A_252 = tpu.vector_load_idx %arg5[%parallel_loop3A_251] : memref<352xf32, #tpu.memory_space<vmem>>[vector<16xi32>], vector<16xf32>,
        %parallel_loop3A_253 = arith.constant 0 : i32
        %parallel_loop3A_254 = arith.constant 0 : i32
        %parallel_loop3A_255 = arith.constant 0 : i32
        %parallel_loop3A_256 = tpu.memref_slice %arg7[%parallel_loop3A_253, %parallel_loop3A_254, %parallel_loop3A_255] : memref<2x100x128xf32, #tpu.memory_space<vmem>> -> memref<1x100x128xf32, #tpu.memory_space<vmem>>
        %parallel_loop3A_257 = tpu.memref_squeeze %parallel_loop3A_256 : memref<1x100x128xf32, #tpu.memory_space<vmem>> -> memref<100x128xf32, #tpu.memory_space<vmem>>
        tpu.vector_store_idx %parallel_loop3A_257[%parallel_loop3A_185, %add3A_81], %parallel_loop3A_252 : memref<100x128xf32, #tpu.memory_space<vmem>>[vector<16xi32>, vector<16xi32>], vector<16xf32>,
      } {sc.loop_unroll_factor = 2 : i64, sc.parallel_access}
      %mul3A_128 = arith.constant 100 : i32
      %mul3A_129 = arith.muli %add3A_123, %mul3A_128 : i32
      %add3A_130 = arith.addi %mul3A_2, %mul3A_129 : i32
      %dma_start3A = arith.constant 0 : i32
      %dma_start3A_131 = arith.constant 0 : i32
      %dma_start3A_132 = arith.constant 0 : i32
      %dma_start3A_133 = tpu.memref_slice %arg7[%dma_start3A, %dma_start3A_131, %dma_start3A_132] : memref<2x100x128xf32, #tpu.memory_space<vmem>> -> memref<1x100x128xf32, #tpu.memory_space<vmem>>
      %dma_start3A_134 = tpu.memref_squeeze %dma_start3A_133 : memref<1x100x128xf32, #tpu.memory_space<vmem>> -> memref<100x128xf32, #tpu.memory_space<vmem>>
      %dma_start3A_135 = arith.constant 0 : i32
      %dma_start3A_136 = tpu.memref_slice %arg4[%add3A_130, %dma_start3A_135] : memref<102400x128xf32, #tpu.memory_space<hbm>> -> memref<100x128xf32, #tpu.memory_space<hbm>>
      %dma_start3A_137 = arith.constant 0 : i32
      %dma_start3A_138 = tpu.memref_slice %arg4[%add3A_130, %dma_start3A_137] : memref<102400x128xf32, #tpu.memory_space<hbm>> -> memref<100x128xf32, #tpu.memory_space<hbm>>
      %dma_start3A_139 = arith.constant 0 : i32
      %dma_start3A_140 = arith.constant 0 : i32
      %dma_start3A_141 = tpu.memref_slice %arg7[%dma_start3A, %dma_start3A_139, %dma_start3A_140] : memref<2x100x128xf32, #tpu.memory_space<vmem>> -> memref<1x100x128xf32, #tpu.memory_space<vmem>>
      %dma_start3A_142 = tpu.memref_squeeze %dma_start3A_141 : memref<1x100x128xf32, #tpu.memory_space<vmem>> -> memref<100x128xf32, #tpu.memory_space<vmem>>
      tpu.enqueue_dma source(%dma_start3A_142 : memref<100x128xf32, #tpu.memory_space<vmem>>) target(%dma_start3A_138 : memref<100x128xf32, #tpu.memory_space<hbm>>) target_semaphore(%arg8 : memref<!tpu.dma_semaphore, #tpu.memory_space<semaphore_mem>>)
      %mul3A_143 = arith.constant 2 : i32
      %mul3A_144 = arith.muli %scan3A_119, %mul3A_143 : i32
      %add3A_145 = arith.constant 1 : i32
      %add3A_146 = arith.addi %mul3A_144, %add3A_145 : i32
      %ge3A_147 = arith.constant 2 : i32
      %ge3A_148 = arith.cmpi sge, %add3A_146, %ge3A_147 : i32
      %convert_element_type3A_149 = arith.extui %ge3A_148 : i1 to i32
      %cond3A_150 = arith.constant 0 : i32
      %cond3A_151 = arith.cmpi ne, %convert_element_type3A_149, %cond3A_150 : i32
      scf.if %cond3A_151 {
        %sub3A = arith.constant 2 : i32
        %sub3A_171 = arith.subi %add3A_146, %sub3A : i32
        %mul3A_172 = arith.constant 100 : i32
        %mul3A_173 = arith.muli %sub3A_171, %mul3A_172 : i32
        %add3A_174 = arith.addi %mul3A_2, %mul3A_173 : i32
        %dma_wait3A_175 = arith.constant 1 : i32
        %dma_wait3A_176 = arith.constant 0 : i32
        %dma_wait3A_177 = arith.constant 0 : i32
        %dma_wait3A_178 = tpu.memref_slice %arg7[%dma_wait3A_175, %dma_wait3A_176, %dma_wait3A_177] : memref<2x100x128xf32, #tpu.memory_space<vmem>> -> memref<1x100x128xf32, #tpu.memory_space<vmem>>
        %dma_wait3A_179 = tpu.memref_squeeze %dma_wait3A_178 : memref<1x100x128xf32, #tpu.memory_space<vmem>> -> memref<100x128xf32, #tpu.memory_space<vmem>>
        %dma_wait3A_180 = arith.constant 0 : i32
        %dma_wait3A_181 = tpu.memref_slice %arg4[%add3A_174, %dma_wait3A_180] : memref<102400x128xf32, #tpu.memory_space<hbm>> -> memref<100x128xf32, #tpu.memory_space<hbm>>
        %dma_wait3A_182 = arith.constant 0 : i32
        %dma_wait3A_183 = tpu.memref_slice %arg4[%add3A_174, %dma_wait3A_182] : memref<102400x128xf32, #tpu.memory_space<hbm>> -> memref<100x128xf32, #tpu.memory_space<hbm>>
        %dma_wait3A_184 = arith.constant 0 : i32
        %dma_wait3A_185 = arith.constant 0 : i32
        %dma_wait3A_186 = tpu.memref_slice %arg7[%dma_wait3A_175, %dma_wait3A_184, %dma_wait3A_185] : memref<2x100x128xf32, #tpu.memory_space<vmem>> -> memref<1x100x128xf32, #tpu.memory_space<vmem>>
        %dma_wait3A_187 = tpu.memref_squeeze %dma_wait3A_186 : memref<1x100x128xf32, #tpu.memory_space<vmem>> -> memref<100x128xf32, #tpu.memory_space<vmem>>
        tpu.wait_dma2 semaphore(%arg9 : memref<!tpu.dma_semaphore, #tpu.memory_space<semaphore_mem>>) src(%dma_wait3A_187 : memref<100x128xf32, #tpu.memory_space<vmem>>) dst(%dma_wait3A_183 : memref<100x128xf32, #tpu.memory_space<hbm>>)
      } else {
      }
      %parallel_loop3A_152 = arith.constant 0 : i32
      %parallel_loop3A_153 = arith.constant 50 : i32
      %parallel_loop3A_154 = arith.constant 1 : i32
      scf.for %parallel_loop3A_171 = %parallel_loop3A_152 to %parallel_loop3A_153 step %parallel_loop3A_154  : i32 {
        %parallel_loop3A_172 = arith.constant 800 : i32
        %parallel_loop3A_173 = arith.muli %add3A_146, %parallel_loop3A_172 : i32
        %parallel_loop3A_174 = arith.constant 16 : i32
        %parallel_loop3A_175 = arith.muli %parallel_loop3A_171, %parallel_loop3A_174 : i32
        %parallel_loop3A_176 = arith.addi %parallel_loop3A_173, %parallel_loop3A_175 : i32
        %parallel_loop3A_177 = arith.index_cast %parallel_loop3A_176 : i32 to index
        %parallel_loop3A_178 = tpu.vector_load %arg6[%parallel_loop3A_177] {strides = array<i32>} : memref<25600xi32, #tpu.memory_space<vmem>>, vector<16xi32>,
        %parallel_loop3A_179 = arith.constant 16 : i32
        %parallel_loop3A_180 = vector.broadcast %parallel_loop3A_179 : i32 to vector<16xi32>
        %parallel_loop3A_181 = arith.muli %parallel_loop3A_178, %parallel_loop3A_180 : vector<16xi32>
        %parallel_loop3A_182 = arith.constant 2 : i32
        %parallel_loop3A_183 = arith.muli %parallel_loop3A_171, %parallel_loop3A_182 : i32
        %parallel_loop3A_184 = vector.broadcast %parallel_loop3A_183 : i32 to vector<16xi32>
        %parallel_loop3A_185 = arith.addi %shift_right_arithmetic3A_83, %parallel_loop3A_184 : vector<16xi32>
        %parallel_loop3A_186 = arith.constant 0 : i32
        %parallel_loop3A_187 = vector.broadcast %parallel_loop3A_186 : i32 to vector<16xi32>
        %parallel_loop3A_188 = arith.addi %parallel_loop3A_181, %parallel_loop3A_187 : vector<16xi32>
        %parallel_loop3A_189 = tpu.vector_load_idx %arg5[%parallel_loop3A_188] : memref<352xf32, #tpu.memory_space<vmem>>[vector<16xi32>], vector<16xf32>,
        %parallel_loop3A_190 = arith.constant 1 : i32
        %parallel_loop3A_191 = arith.constant 0 : i32
        %parallel_loop3A_192 = arith.constant 0 : i32
        %parallel_loop3A_193 = tpu.memref_slice %arg7[%parallel_loop3A_190, %parallel_loop3A_191, %parallel_loop3A_192] : memref<2x100x128xf32, #tpu.memory_space<vmem>> -> memref<1x100x128xf32, #tpu.memory_space<vmem>>
        %parallel_loop3A_194 = tpu.memref_squeeze %parallel_loop3A_193 : memref<1x100x128xf32, #tpu.memory_space<vmem>> -> memref<100x128xf32, #tpu.memory_space<vmem>>
        tpu.vector_store_idx %parallel_loop3A_194[%parallel_loop3A_185, %add3A_18], %parallel_loop3A_189 : memref<100x128xf32, #tpu.memory_space<vmem>>[vector<16xi32>, vector<16xi32>], vector<16xf32>,
        %parallel_loop3A_195 = arith.constant 1 : i32
        %parallel_loop3A_196 = vector.broadcast %parallel_loop3A_195 : i32 to vector<16xi32>
        %parallel_loop3A_197 = arith.addi %parallel_loop3A_181, %parallel_loop3A_196 : vector<16xi32>
        %parallel_loop3A_198 = tpu.vector_load_idx %arg5[%parallel_loop3A_197] : memref<352xf32, #tpu.memory_space<vmem>>[vector<16xi32>], vector<16xf32>,
        %parallel_loop3A_199 = arith.constant 1 : i32
        %parallel_loop3A_200 = arith.constant 0 : i32
        %parallel_loop3A_201 = arith.constant 0 : i32
        %parallel_loop3A_202 = tpu.memref_slice %arg7[%parallel_loop3A_199, %parallel_loop3A_200, %parallel_loop3A_201] : memref<2x100x128xf32, #tpu.memory_space<vmem>> -> memref<1x100x128xf32, #tpu.memory_space<vmem>>
        %parallel_loop3A_203 = tpu.memref_squeeze %parallel_loop3A_202 : memref<1x100x128xf32, #tpu.memory_space<vmem>> -> memref<100x128xf32, #tpu.memory_space<vmem>>
        tpu.vector_store_idx %parallel_loop3A_203[%parallel_loop3A_185, %add3A_27], %parallel_loop3A_198 : memref<100x128xf32, #tpu.memory_space<vmem>>[vector<16xi32>, vector<16xi32>], vector<16xf32>,
        %parallel_loop3A_204 = arith.constant 2 : i32
        %parallel_loop3A_205 = vector.broadcast %parallel_loop3A_204 : i32 to vector<16xi32>
        %parallel_loop3A_206 = arith.addi %parallel_loop3A_181, %parallel_loop3A_205 : vector<16xi32>
        %parallel_loop3A_207 = tpu.vector_load_idx %arg5[%parallel_loop3A_206] : memref<352xf32, #tpu.memory_space<vmem>>[vector<16xi32>], vector<16xf32>,
        %parallel_loop3A_208 = arith.constant 1 : i32
        %parallel_loop3A_209 = arith.constant 0 : i32
        %parallel_loop3A_210 = arith.constant 0 : i32
        %parallel_loop3A_211 = tpu.memref_slice %arg7[%parallel_loop3A_208, %parallel_loop3A_209, %parallel_loop3A_210] : memref<2x100x128xf32, #tpu.memory_space<vmem>> -> memref<1x100x128xf32, #tpu.memory_space<vmem>>
        %parallel_loop3A_212 = tpu.memref_squeeze %parallel_loop3A_211 : memref<1x100x128xf32, #tpu.memory_space<vmem>> -> memref<100x128xf32, #tpu.memory_space<vmem>>
        tpu.vector_store_idx %parallel_loop3A_212[%parallel_loop3A_185, %add3A_36], %parallel_loop3A_207 : memref<100x128xf32, #tpu.memory_space<vmem>>[vector<16xi32>, vector<16xi32>], vector<16xf32>,
        %parallel_loop3A_213 = arith.constant 3 : i32
        %parallel_loop3A_214 = vector.broadcast %parallel_loop3A_213 : i32 to vector<16xi32>
        %parallel_loop3A_215 = arith.addi %parallel_loop3A_181, %parallel_loop3A_214 : vector<16xi32>
        %parallel_loop3A_216 = tpu.vector_load_idx %arg5[%parallel_loop3A_215] : memref<352xf32, #tpu.memory_space<vmem>>[vector<16xi32>], vector<16xf32>,
        %parallel_loop3A_217 = arith.constant 1 : i32
        %parallel_loop3A_218 = arith.constant 0 : i32
        %parallel_loop3A_219 = arith.constant 0 : i32
        %parallel_loop3A_220 = tpu.memref_slice %arg7[%parallel_loop3A_217, %parallel_loop3A_218, %parallel_loop3A_219] : memref<2x100x128xf32, #tpu.memory_space<vmem>> -> memref<1x100x128xf32, #tpu.memory_space<vmem>>
        %parallel_loop3A_221 = tpu.memref_squeeze %parallel_loop3A_220 : memref<1x100x128xf32, #tpu.memory_space<vmem>> -> memref<100x128xf32, #tpu.memory_space<vmem>>
        tpu.vector_store_idx %parallel_loop3A_221[%parallel_loop3A_185, %add3A_45], %parallel_loop3A_216 : memref<100x128xf32, #tpu.memory_space<vmem>>[vector<16xi32>, vector<16xi32>], vector<16xf32>,
        %parallel_loop3A_222 = arith.constant 4 : i32
        %parallel_loop3A_223 = vector.broadcast %parallel_loop3A_222 : i32 to vector<16xi32>
        %parallel_loop3A_224 = arith.addi %parallel_loop3A_181, %parallel_loop3A_223 : vector<16xi32>
        %parallel_loop3A_225 = tpu.vector_load_idx %arg5[%parallel_loop3A_224] : memref<352xf32, #tpu.memory_space<vmem>>[vector<16xi32>], vector<16xf32>,
        %parallel_loop3A_226 = arith.constant 1 : i32
        %parallel_loop3A_227 = arith.constant 0 : i32
        %parallel_loop3A_228 = arith.constant 0 : i32
        %parallel_loop3A_229 = tpu.memref_slice %arg7[%parallel_loop3A_226, %parallel_loop3A_227, %parallel_loop3A_228] : memref<2x100x128xf32, #tpu.memory_space<vmem>> -> memref<1x100x128xf32, #tpu.memory_space<vmem>>
        %parallel_loop3A_230 = tpu.memref_squeeze %parallel_loop3A_229 : memref<1x100x128xf32, #tpu.memory_space<vmem>> -> memref<100x128xf32, #tpu.memory_space<vmem>>
        tpu.vector_store_idx %parallel_loop3A_230[%parallel_loop3A_185, %add3A_54], %parallel_loop3A_225 : memref<100x128xf32, #tpu.memory_space<vmem>>[vector<16xi32>, vector<16xi32>], vector<16xf32>,
        %parallel_loop3A_231 = arith.constant 5 : i32
        %parallel_loop3A_232 = vector.broadcast %parallel_loop3A_231 : i32 to vector<16xi32>
        %parallel_loop3A_233 = arith.addi %parallel_loop3A_181, %parallel_loop3A_232 : vector<16xi32>
        %parallel_loop3A_234 = tpu.vector_load_idx %arg5[%parallel_loop3A_233] : memref<352xf32, #tpu.memory_space<vmem>>[vector<16xi32>], vector<16xf32>,
        %parallel_loop3A_235 = arith.constant 1 : i32
        %parallel_loop3A_236 = arith.constant 0 : i32
        %parallel_loop3A_237 = arith.constant 0 : i32
        %parallel_loop3A_238 = tpu.memref_slice %arg7[%parallel_loop3A_235, %parallel_loop3A_236, %parallel_loop3A_237] : memref<2x100x128xf32, #tpu.memory_space<vmem>> -> memref<1x100x128xf32, #tpu.memory_space<vmem>>
        %parallel_loop3A_239 = tpu.memref_squeeze %parallel_loop3A_238 : memref<1x100x128xf32, #tpu.memory_space<vmem>> -> memref<100x128xf32, #tpu.memory_space<vmem>>
        tpu.vector_store_idx %parallel_loop3A_239[%parallel_loop3A_185, %add3A_63], %parallel_loop3A_234 : memref<100x128xf32, #tpu.memory_space<vmem>>[vector<16xi32>, vector<16xi32>], vector<16xf32>,
        %parallel_loop3A_240 = arith.constant 6 : i32
        %parallel_loop3A_241 = vector.broadcast %parallel_loop3A_240 : i32 to vector<16xi32>
        %parallel_loop3A_242 = arith.addi %parallel_loop3A_181, %parallel_loop3A_241 : vector<16xi32>
        %parallel_loop3A_243 = tpu.vector_load_idx %arg5[%parallel_loop3A_242] : memref<352xf32, #tpu.memory_space<vmem>>[vector<16xi32>], vector<16xf32>,
        %parallel_loop3A_244 = arith.constant 1 : i32
        %parallel_loop3A_245 = arith.constant 0 : i32
        %parallel_loop3A_246 = arith.constant 0 : i32
        %parallel_loop3A_247 = tpu.memref_slice %arg7[%parallel_loop3A_244, %parallel_loop3A_245, %parallel_loop3A_246] : memref<2x100x128xf32, #tpu.memory_space<vmem>> -> memref<1x100x128xf32, #tpu.memory_space<vmem>>
        %parallel_loop3A_248 = tpu.memref_squeeze %parallel_loop3A_247 : memref<1x100x128xf32, #tpu.memory_space<vmem>> -> memref<100x128xf32, #tpu.memory_space<vmem>>
        tpu.vector_store_idx %parallel_loop3A_248[%parallel_loop3A_185, %add3A_72], %parallel_loop3A_243 : memref<100x128xf32, #tpu.memory_space<vmem>>[vector<16xi32>, vector<16xi32>], vector<16xf32>,
        %parallel_loop3A_249 = arith.constant 7 : i32
        %parallel_loop3A_250 = vector.broadcast %parallel_loop3A_249 : i32 to vector<16xi32>
        %parallel_loop3A_251 = arith.addi %parallel_loop3A_181, %parallel_loop3A_250 : vector<16xi32>
        %parallel_loop3A_252 = tpu.vector_load_idx %arg5[%parallel_loop3A_251] : memref<352xf32, #tpu.memory_space<vmem>>[vector<16xi32>], vector<16xf32>,
        %parallel_loop3A_253 = arith.constant 1 : i32
        %parallel_loop3A_254 = arith.constant 0 : i32
        %parallel_loop3A_255 = arith.constant 0 : i32
        %parallel_loop3A_256 = tpu.memref_slice %arg7[%parallel_loop3A_253, %parallel_loop3A_254, %parallel_loop3A_255] : memref<2x100x128xf32, #tpu.memory_space<vmem>> -> memref<1x100x128xf32, #tpu.memory_space<vmem>>
        %parallel_loop3A_257 = tpu.memref_squeeze %parallel_loop3A_256 : memref<1x100x128xf32, #tpu.memory_space<vmem>> -> memref<100x128xf32, #tpu.memory_space<vmem>>
        tpu.vector_store_idx %parallel_loop3A_257[%parallel_loop3A_185, %add3A_81], %parallel_loop3A_252 : memref<100x128xf32, #tpu.memory_space<vmem>>[vector<16xi32>, vector<16xi32>], vector<16xf32>,
      } {sc.loop_unroll_factor = 2 : i64, sc.parallel_access}
      %mul3A_155 = arith.constant 100 : i32
      %mul3A_156 = arith.muli %add3A_146, %mul3A_155 : i32
      %add3A_157 = arith.addi %mul3A_2, %mul3A_156 : i32
      %dma_start3A_158 = arith.constant 1 : i32
      %dma_start3A_159 = arith.constant 0 : i32
      %dma_start3A_160 = arith.constant 0 : i32
      %dma_start3A_161 = tpu.memref_slice %arg7[%dma_start3A_158, %dma_start3A_159, %dma_start3A_160] : memref<2x100x128xf32, #tpu.memory_space<vmem>> -> memref<1x100x128xf32, #tpu.memory_space<vmem>>
      %dma_start3A_162 = tpu.memref_squeeze %dma_start3A_161 : memref<1x100x128xf32, #tpu.memory_space<vmem>> -> memref<100x128xf32, #tpu.memory_space<vmem>>
      %dma_start3A_163 = arith.constant 0 : i32
      %dma_start3A_164 = tpu.memref_slice %arg4[%add3A_157, %dma_start3A_163] : memref<102400x128xf32, #tpu.memory_space<hbm>> -> memref<100x128xf32, #tpu.memory_space<hbm>>
      %dma_start3A_165 = arith.constant 0 : i32
      %dma_start3A_166 = tpu.memref_slice %arg4[%add3A_157, %dma_start3A_165] : memref<102400x128xf32, #tpu.memory_space<hbm>> -> memref<100x128xf32, #tpu.memory_space<hbm>>
      %dma_start3A_167 = arith.constant 0 : i32
      %dma_start3A_168 = arith.constant 0 : i32
      %dma_start3A_169 = tpu.memref_slice %arg7[%dma_start3A_158, %dma_start3A_167, %dma_start3A_168] : memref<2x100x128xf32, #tpu.memory_space<vmem>> -> memref<1x100x128xf32, #tpu.memory_space<vmem>>
      %dma_start3A_170 = tpu.memref_squeeze %dma_start3A_169 : memref<1x100x128xf32, #tpu.memory_space<vmem>> -> memref<100x128xf32, #tpu.memory_space<vmem>>
      tpu.enqueue_dma source(%dma_start3A_170 : memref<100x128xf32, #tpu.memory_space<vmem>>) target(%dma_start3A_166 : memref<100x128xf32, #tpu.memory_space<hbm>>) target_semaphore(%arg9 : memref<!tpu.dma_semaphore, #tpu.memory_space<semaphore_mem>>)
    }
    %scan3A_89 = arith.constant 16 : i32
    %add3A_90 = arith.constant 3000 : i32
    %add3A_91 = arith.addi %mul3A_2, %add3A_90 : i32
    %dma_wait3A = arith.constant 0 : i32
    %dma_wait3A_92 = arith.constant 0 : i32
    %dma_wait3A_93 = arith.constant 0 : i32
    %dma_wait3A_94 = tpu.memref_slice %arg7[%dma_wait3A, %dma_wait3A_92, %dma_wait3A_93] : memref<2x100x128xf32, #tpu.memory_space<vmem>> -> memref<1x100x128xf32, #tpu.memory_space<vmem>>
    %dma_wait3A_95 = tpu.memref_squeeze %dma_wait3A_94 : memref<1x100x128xf32, #tpu.memory_space<vmem>> -> memref<100x128xf32, #tpu.memory_space<vmem>>
    %dma_wait3A_96 = arith.constant 0 : i32
    %dma_wait3A_97 = tpu.memref_slice %arg4[%add3A_91, %dma_wait3A_96] : memref<102400x128xf32, #tpu.memory_space<hbm>> -> memref<100x128xf32, #tpu.memory_space<hbm>>
    %dma_wait3A_98 = arith.constant 0 : i32
    %dma_wait3A_99 = tpu.memref_slice %arg4[%add3A_91, %dma_wait3A_98] : memref<102400x128xf32, #tpu.memory_space<hbm>> -> memref<100x128xf32, #tpu.memory_space<hbm>>
    %dma_wait3A_100 = arith.constant 0 : i32
    %dma_wait3A_101 = arith.constant 0 : i32
    %dma_wait3A_102 = tpu.memref_slice %arg7[%dma_wait3A, %dma_wait3A_100, %dma_wait3A_101] : memref<2x100x128xf32, #tpu.memory_space<vmem>> -> memref<1x100x128xf32, #tpu.memory_space<vmem>>
    %dma_wait3A_103 = tpu.memref_squeeze %dma_wait3A_102 : memref<1x100x128xf32, #tpu.memory_space<vmem>> -> memref<100x128xf32, #tpu.memory_space<vmem>>
    tpu.wait_dma2 semaphore(%arg8 : memref<!tpu.dma_semaphore, #tpu.memory_space<semaphore_mem>>) src(%dma_wait3A_103 : memref<100x128xf32, #tpu.memory_space<vmem>>) dst(%dma_wait3A_99 : memref<100x128xf32, #tpu.memory_space<hbm>>)
    %add3A_104 = arith.constant 3100 : i32
    %add3A_105 = arith.addi %mul3A_2, %add3A_104 : i32
    %dma_wait3A_106 = arith.constant 1 : i32
    %dma_wait3A_107 = arith.constant 0 : i32
    %dma_wait3A_108 = arith.constant 0 : i32
    %dma_wait3A_109 = tpu.memref_slice %arg7[%dma_wait3A_106, %dma_wait3A_107, %dma_wait3A_108] : memref<2x100x128xf32, #tpu.memory_space<vmem>> -> memref<1x100x128xf32, #tpu.memory_space<vmem>>
    %dma_wait3A_110 = tpu.memref_squeeze %dma_wait3A_109 : memref<1x100x128xf32, #tpu.memory_space<vmem>> -> memref<100x128xf32, #tpu.memory_space<vmem>>
    %dma_wait3A_111 = arith.constant 0 : i32
    %dma_wait3A_112 = tpu.memref_slice %arg4[%add3A_105, %dma_wait3A_111] : memref<102400x128xf32, #tpu.memory_space<hbm>> -> memref<100x128xf32, #tpu.memory_space<hbm>>
    %dma_wait3A_113 = arith.constant 0 : i32
    %dma_wait3A_114 = tpu.memref_slice %arg4[%add3A_105, %dma_wait3A_113] : memref<102400x128xf32, #tpu.memory_space<hbm>> -> memref<100x128xf32, #tpu.memory_space<hbm>>
    %dma_wait3A_115 = arith.constant 0 : i32
    %dma_wait3A_116 = arith.constant 0 : i32
    %dma_wait3A_117 = tpu.memref_slice %arg7[%dma_wait3A_106, %dma_wait3A_115, %dma_wait3A_116] : memref<2x100x128xf32, #tpu.memory_space<vmem>> -> memref<1x100x128xf32, #tpu.memory_space<vmem>>
    %dma_wait3A_118 = tpu.memref_squeeze %dma_wait3A_117 : memref<1x100x128xf32, #tpu.memory_space<vmem>> -> memref<100x128xf32, #tpu.memory_space<vmem>>
    tpu.wait_dma2 semaphore(%arg9 : memref<!tpu.dma_semaphore, #tpu.memory_space<semaphore_mem>>) src(%dma_wait3A_118 : memref<100x128xf32, #tpu.memory_space<vmem>>) dst(%dma_wait3A_114 : memref<100x128xf32, #tpu.memory_space<hbm>>)
    return
  }
}

module attributes {stable_mosaic.version = 14 : i64} {
  func.func @_tc_proj_body(%arg0: i32, %arg1: memref<3200x128xf32, #tpu.memory_space<vmem>>, %arg2: memref<16x64xf32, #tpu.memory_space<vmem>>, %arg3: memref<1x64xf32, #tpu.memory_space<vmem>>, %arg4: memref<25600x64xf32, #tpu.memory_space<vmem>>) attributes {dimension_semantics = [#tpu.dimension_semantics<arbitrary>], iteration_bounds = array<i64: 32>, scalar_prefetch = 0 : i64, scratch_operands = 0 : i64, tpu.core_type = #tpu.core_type<tc>, window_params = [{transform_indices = @transform_0, window_bounds = array<i64: 3200, 128>}, {pipeline_mode = #tpu.pipeline_mode<synchronous>, transform_indices = @transform_1, window_bounds = array<i64: 16, 64>}, {pipeline_mode = #tpu.pipeline_mode<synchronous>, transform_indices = @transform_2, window_bounds = array<i64: 1, 64>}, {transform_indices = @transform_3, window_bounds = array<i64: 25600, 64>}]} {
    %get3A = arith.constant 0 : index
    %get3A_0 = arith.constant 0 : index
    %get3A_1 = vector.load %arg1[%get3A, %get3A_0] : memref<3200x128xf32, #tpu.memory_space<vmem>>, vector<3200x128xf32>
    %slice3A = vector.extract_strided_slice %get3A_1 {offsets = [0, 0], sizes = [3200, 16], strides = [1, 1]} : vector<3200x128xf32> to vector<3200x16xf32>
    %get3A_2 = arith.constant 0 : index
    %get3A_3 = arith.constant 0 : index
    %get3A_4 = vector.load %arg2[%get3A_2, %get3A_3] : memref<16x64xf32, #tpu.memory_space<vmem>>, vector<16x64xf32>
    %dot_general3A = arith.constant dense<0.000000e+00> : vector<3200x64xf32>
    %dot_general3A_5 = tpu.matmul %slice3A, %get3A_4, %dot_general3A {dimension_numbers = #tpu.dot_dimension_numbers<[1], [0], [0], [1], [0, 0, 1, 1], [], []>, transpose_lhs_hint = false} : vector<3200x16xf32>, vector<16x64xf32>, vector<3200x64xf32> -> vector<3200x64xf32>
    %get3A_6 = arith.constant 0 : index
    %get3A_7 = arith.constant 0 : index
    %get3A_8 = vector.load %arg3[%get3A_6, %get3A_7] : memref<1x64xf32, #tpu.memory_space<vmem>>, vector<1x64xf32>
    %add3A = vector.broadcast %get3A_8 : vector<1x64xf32> to vector<3200x64xf32>
    %add3A_9 = arith.addf %dot_general3A_5, %add3A : vector<3200x64xf32>
    %swap3A = tpu.memref_reshape %arg4 : memref<25600x64xf32, #tpu.memory_space<vmem>> -> memref<3200x8x64xf32, #tpu.memory_space<vmem>>
    %swap3A_10 = arith.constant 0 : index
    %swap3A_11 = arith.constant 0 : index
    %swap3A_12 = arith.constant 0 : index
    %swap3A_13 = vector.load %swap3A[%swap3A_10, %swap3A_11, %swap3A_12] : memref<3200x8x64xf32, #tpu.memory_space<vmem>>, vector<3200x1x64xf32>
    %swap3A_14 = vector.shape_cast %swap3A_13 : vector<3200x1x64xf32> to vector<3200x64xf32>
    %swap3A_15 = vector.shape_cast %add3A_9 : vector<3200x64xf32> to vector<3200x1x64xf32>
    tpu.vector_store %swap3A[%swap3A_10, %swap3A_11, %swap3A_12], %swap3A_15 {strides = array<i32>} : memref<3200x8x64xf32, #tpu.memory_space<vmem>>, vector<3200x1x64xf32>,
    %slice3A_16 = vector.extract_strided_slice %get3A_1 {offsets = [0, 16], sizes = [3200, 16], strides = [1, 1]} : vector<3200x128xf32> to vector<3200x16xf32>
    %get3A_17 = arith.constant 0 : index
    %get3A_18 = arith.constant 0 : index
    %get3A_19 = vector.load %arg2[%get3A_17, %get3A_18] : memref<16x64xf32, #tpu.memory_space<vmem>>, vector<16x64xf32>
    %dot_general3A_20 = arith.constant dense<0.000000e+00> : vector<3200x64xf32>
    %dot_general3A_21 = tpu.matmul %slice3A_16, %get3A_19, %dot_general3A_20 {dimension_numbers = #tpu.dot_dimension_numbers<[1], [0], [0], [1], [0, 0, 1, 1], [], []>, transpose_lhs_hint = false} : vector<3200x16xf32>, vector<16x64xf32>, vector<3200x64xf32> -> vector<3200x64xf32>
    %get3A_22 = arith.constant 0 : index
    %get3A_23 = arith.constant 0 : index
    %get3A_24 = vector.load %arg3[%get3A_22, %get3A_23] : memref<1x64xf32, #tpu.memory_space<vmem>>, vector<1x64xf32>
    %add3A_25 = vector.broadcast %get3A_24 : vector<1x64xf32> to vector<3200x64xf32>
    %add3A_26 = arith.addf %dot_general3A_21, %add3A_25 : vector<3200x64xf32>
    %swap3A_27 = tpu.memref_reshape %arg4 : memref<25600x64xf32, #tpu.memory_space<vmem>> -> memref<3200x8x64xf32, #tpu.memory_space<vmem>>
    %swap3A_28 = arith.constant 0 : index
    %swap3A_29 = arith.constant 1 : index
    %swap3A_30 = arith.constant 0 : index
    %swap3A_31 = vector.load %swap3A_27[%swap3A_28, %swap3A_29, %swap3A_30] : memref<3200x8x64xf32, #tpu.memory_space<vmem>>, vector<3200x1x64xf32>
    %swap3A_32 = vector.shape_cast %swap3A_31 : vector<3200x1x64xf32> to vector<3200x64xf32>
    %swap3A_33 = vector.shape_cast %add3A_26 : vector<3200x64xf32> to vector<3200x1x64xf32>
    tpu.vector_store %swap3A_27[%swap3A_28, %swap3A_29, %swap3A_30], %swap3A_33 {strides = array<i32>} : memref<3200x8x64xf32, #tpu.memory_space<vmem>>, vector<3200x1x64xf32>,
    %slice3A_34 = vector.extract_strided_slice %get3A_1 {offsets = [0, 32], sizes = [3200, 16], strides = [1, 1]} : vector<3200x128xf32> to vector<3200x16xf32>
    %get3A_35 = arith.constant 0 : index
    %get3A_36 = arith.constant 0 : index
    %get3A_37 = vector.load %arg2[%get3A_35, %get3A_36] : memref<16x64xf32, #tpu.memory_space<vmem>>, vector<16x64xf32>
    %dot_general3A_38 = arith.constant dense<0.000000e+00> : vector<3200x64xf32>
    %dot_general3A_39 = tpu.matmul %slice3A_34, %get3A_37, %dot_general3A_38 {dimension_numbers = #tpu.dot_dimension_numbers<[1], [0], [0], [1], [0, 0, 1, 1], [], []>, transpose_lhs_hint = false} : vector<3200x16xf32>, vector<16x64xf32>, vector<3200x64xf32> -> vector<3200x64xf32>
    %get3A_40 = arith.constant 0 : index
    %get3A_41 = arith.constant 0 : index
    %get3A_42 = vector.load %arg3[%get3A_40, %get3A_41] : memref<1x64xf32, #tpu.memory_space<vmem>>, vector<1x64xf32>
    %add3A_43 = vector.broadcast %get3A_42 : vector<1x64xf32> to vector<3200x64xf32>
    %add3A_44 = arith.addf %dot_general3A_39, %add3A_43 : vector<3200x64xf32>
    %swap3A_45 = tpu.memref_reshape %arg4 : memref<25600x64xf32, #tpu.memory_space<vmem>> -> memref<3200x8x64xf32, #tpu.memory_space<vmem>>
    %swap3A_46 = arith.constant 0 : index
    %swap3A_47 = arith.constant 2 : index
    %swap3A_48 = arith.constant 0 : index
    %swap3A_49 = vector.load %swap3A_45[%swap3A_46, %swap3A_47, %swap3A_48] : memref<3200x8x64xf32, #tpu.memory_space<vmem>>, vector<3200x1x64xf32>
    %swap3A_50 = vector.shape_cast %swap3A_49 : vector<3200x1x64xf32> to vector<3200x64xf32>
    %swap3A_51 = vector.shape_cast %add3A_44 : vector<3200x64xf32> to vector<3200x1x64xf32>
    tpu.vector_store %swap3A_45[%swap3A_46, %swap3A_47, %swap3A_48], %swap3A_51 {strides = array<i32>} : memref<3200x8x64xf32, #tpu.memory_space<vmem>>, vector<3200x1x64xf32>,
    %slice3A_52 = vector.extract_strided_slice %get3A_1 {offsets = [0, 48], sizes = [3200, 16], strides = [1, 1]} : vector<3200x128xf32> to vector<3200x16xf32>
    %get3A_53 = arith.constant 0 : index
    %get3A_54 = arith.constant 0 : index
    %get3A_55 = vector.load %arg2[%get3A_53, %get3A_54] : memref<16x64xf32, #tpu.memory_space<vmem>>, vector<16x64xf32>
    %dot_general3A_56 = arith.constant dense<0.000000e+00> : vector<3200x64xf32>
    %dot_general3A_57 = tpu.matmul %slice3A_52, %get3A_55, %dot_general3A_56 {dimension_numbers = #tpu.dot_dimension_numbers<[1], [0], [0], [1], [0, 0, 1, 1], [], []>, transpose_lhs_hint = false} : vector<3200x16xf32>, vector<16x64xf32>, vector<3200x64xf32> -> vector<3200x64xf32>
    %get3A_58 = arith.constant 0 : index
    %get3A_59 = arith.constant 0 : index
    %get3A_60 = vector.load %arg3[%get3A_58, %get3A_59] : memref<1x64xf32, #tpu.memory_space<vmem>>, vector<1x64xf32>
    %add3A_61 = vector.broadcast %get3A_60 : vector<1x64xf32> to vector<3200x64xf32>
    %add3A_62 = arith.addf %dot_general3A_57, %add3A_61 : vector<3200x64xf32>
    %swap3A_63 = tpu.memref_reshape %arg4 : memref<25600x64xf32, #tpu.memory_space<vmem>> -> memref<3200x8x64xf32, #tpu.memory_space<vmem>>
    %swap3A_64 = arith.constant 0 : index
    %swap3A_65 = arith.constant 3 : index
    %swap3A_66 = arith.constant 0 : index
    %swap3A_67 = vector.load %swap3A_63[%swap3A_64, %swap3A_65, %swap3A_66] : memref<3200x8x64xf32, #tpu.memory_space<vmem>>, vector<3200x1x64xf32>
    %swap3A_68 = vector.shape_cast %swap3A_67 : vector<3200x1x64xf32> to vector<3200x64xf32>
    %swap3A_69 = vector.shape_cast %add3A_62 : vector<3200x64xf32> to vector<3200x1x64xf32>
    tpu.vector_store %swap3A_63[%swap3A_64, %swap3A_65, %swap3A_66], %swap3A_69 {strides = array<i32>} : memref<3200x8x64xf32, #tpu.memory_space<vmem>>, vector<3200x1x64xf32>,
    %slice3A_70 = vector.extract_strided_slice %get3A_1 {offsets = [0, 64], sizes = [3200, 16], strides = [1, 1]} : vector<3200x128xf32> to vector<3200x16xf32>
    %get3A_71 = arith.constant 0 : index
    %get3A_72 = arith.constant 0 : index
    %get3A_73 = vector.load %arg2[%get3A_71, %get3A_72] : memref<16x64xf32, #tpu.memory_space<vmem>>, vector<16x64xf32>
    %dot_general3A_74 = arith.constant dense<0.000000e+00> : vector<3200x64xf32>
    %dot_general3A_75 = tpu.matmul %slice3A_70, %get3A_73, %dot_general3A_74 {dimension_numbers = #tpu.dot_dimension_numbers<[1], [0], [0], [1], [0, 0, 1, 1], [], []>, transpose_lhs_hint = false} : vector<3200x16xf32>, vector<16x64xf32>, vector<3200x64xf32> -> vector<3200x64xf32>
    %get3A_76 = arith.constant 0 : index
    %get3A_77 = arith.constant 0 : index
    %get3A_78 = vector.load %arg3[%get3A_76, %get3A_77] : memref<1x64xf32, #tpu.memory_space<vmem>>, vector<1x64xf32>
    %add3A_79 = vector.broadcast %get3A_78 : vector<1x64xf32> to vector<3200x64xf32>
    %add3A_80 = arith.addf %dot_general3A_75, %add3A_79 : vector<3200x64xf32>
    %swap3A_81 = tpu.memref_reshape %arg4 : memref<25600x64xf32, #tpu.memory_space<vmem>> -> memref<3200x8x64xf32, #tpu.memory_space<vmem>>
    %swap3A_82 = arith.constant 0 : index
    %swap3A_83 = arith.constant 4 : index
    %swap3A_84 = arith.constant 0 : index
    %swap3A_85 = vector.load %swap3A_81[%swap3A_82, %swap3A_83, %swap3A_84] : memref<3200x8x64xf32, #tpu.memory_space<vmem>>, vector<3200x1x64xf32>
    %swap3A_86 = vector.shape_cast %swap3A_85 : vector<3200x1x64xf32> to vector<3200x64xf32>
    %swap3A_87 = vector.shape_cast %add3A_80 : vector<3200x64xf32> to vector<3200x1x64xf32>
    tpu.vector_store %swap3A_81[%swap3A_82, %swap3A_83, %swap3A_84], %swap3A_87 {strides = array<i32>} : memref<3200x8x64xf32, #tpu.memory_space<vmem>>, vector<3200x1x64xf32>,
    %slice3A_88 = vector.extract_strided_slice %get3A_1 {offsets = [0, 80], sizes = [3200, 16], strides = [1, 1]} : vector<3200x128xf32> to vector<3200x16xf32>
    %get3A_89 = arith.constant 0 : index
    %get3A_90 = arith.constant 0 : index
    %get3A_91 = vector.load %arg2[%get3A_89, %get3A_90] : memref<16x64xf32, #tpu.memory_space<vmem>>, vector<16x64xf32>
    %dot_general3A_92 = arith.constant dense<0.000000e+00> : vector<3200x64xf32>
    %dot_general3A_93 = tpu.matmul %slice3A_88, %get3A_91, %dot_general3A_92 {dimension_numbers = #tpu.dot_dimension_numbers<[1], [0], [0], [1], [0, 0, 1, 1], [], []>, transpose_lhs_hint = false} : vector<3200x16xf32>, vector<16x64xf32>, vector<3200x64xf32> -> vector<3200x64xf32>
    %get3A_94 = arith.constant 0 : index
    %get3A_95 = arith.constant 0 : index
    %get3A_96 = vector.load %arg3[%get3A_94, %get3A_95] : memref<1x64xf32, #tpu.memory_space<vmem>>, vector<1x64xf32>
    %add3A_97 = vector.broadcast %get3A_96 : vector<1x64xf32> to vector<3200x64xf32>
    %add3A_98 = arith.addf %dot_general3A_93, %add3A_97 : vector<3200x64xf32>
    %swap3A_99 = tpu.memref_reshape %arg4 : memref<25600x64xf32, #tpu.memory_space<vmem>> -> memref<3200x8x64xf32, #tpu.memory_space<vmem>>
    %swap3A_100 = arith.constant 0 : index
    %swap3A_101 = arith.constant 5 : index
    %swap3A_102 = arith.constant 0 : index
    %swap3A_103 = vector.load %swap3A_99[%swap3A_100, %swap3A_101, %swap3A_102] : memref<3200x8x64xf32, #tpu.memory_space<vmem>>, vector<3200x1x64xf32>
    %swap3A_104 = vector.shape_cast %swap3A_103 : vector<3200x1x64xf32> to vector<3200x64xf32>
    %swap3A_105 = vector.shape_cast %add3A_98 : vector<3200x64xf32> to vector<3200x1x64xf32>
    tpu.vector_store %swap3A_99[%swap3A_100, %swap3A_101, %swap3A_102], %swap3A_105 {strides = array<i32>} : memref<3200x8x64xf32, #tpu.memory_space<vmem>>, vector<3200x1x64xf32>,
    %slice3A_106 = vector.extract_strided_slice %get3A_1 {offsets = [0, 96], sizes = [3200, 16], strides = [1, 1]} : vector<3200x128xf32> to vector<3200x16xf32>
    %get3A_107 = arith.constant 0 : index
    %get3A_108 = arith.constant 0 : index
    %get3A_109 = vector.load %arg2[%get3A_107, %get3A_108] : memref<16x64xf32, #tpu.memory_space<vmem>>, vector<16x64xf32>
    %dot_general3A_110 = arith.constant dense<0.000000e+00> : vector<3200x64xf32>
    %dot_general3A_111 = tpu.matmul %slice3A_106, %get3A_109, %dot_general3A_110 {dimension_numbers = #tpu.dot_dimension_numbers<[1], [0], [0], [1], [0, 0, 1, 1], [], []>, transpose_lhs_hint = false} : vector<3200x16xf32>, vector<16x64xf32>, vector<3200x64xf32> -> vector<3200x64xf32>
    %get3A_112 = arith.constant 0 : index
    %get3A_113 = arith.constant 0 : index
    %get3A_114 = vector.load %arg3[%get3A_112, %get3A_113] : memref<1x64xf32, #tpu.memory_space<vmem>>, vector<1x64xf32>
    %add3A_115 = vector.broadcast %get3A_114 : vector<1x64xf32> to vector<3200x64xf32>
    %add3A_116 = arith.addf %dot_general3A_111, %add3A_115 : vector<3200x64xf32>
    %swap3A_117 = tpu.memref_reshape %arg4 : memref<25600x64xf32, #tpu.memory_space<vmem>> -> memref<3200x8x64xf32, #tpu.memory_space<vmem>>
    %swap3A_118 = arith.constant 0 : index
    %swap3A_119 = arith.constant 6 : index
    %swap3A_120 = arith.constant 0 : index
    %swap3A_121 = vector.load %swap3A_117[%swap3A_118, %swap3A_119, %swap3A_120] : memref<3200x8x64xf32, #tpu.memory_space<vmem>>, vector<3200x1x64xf32>
    %swap3A_122 = vector.shape_cast %swap3A_121 : vector<3200x1x64xf32> to vector<3200x64xf32>
    %swap3A_123 = vector.shape_cast %add3A_116 : vector<3200x64xf32> to vector<3200x1x64xf32>
    tpu.vector_store %swap3A_117[%swap3A_118, %swap3A_119, %swap3A_120], %swap3A_123 {strides = array<i32>} : memref<3200x8x64xf32, #tpu.memory_space<vmem>>, vector<3200x1x64xf32>,
    %slice3A_124 = vector.extract_strided_slice %get3A_1 {offsets = [0, 112], sizes = [3200, 16], strides = [1, 1]} : vector<3200x128xf32> to vector<3200x16xf32>
    %get3A_125 = arith.constant 0 : index
    %get3A_126 = arith.constant 0 : index
    %get3A_127 = vector.load %arg2[%get3A_125, %get3A_126] : memref<16x64xf32, #tpu.memory_space<vmem>>, vector<16x64xf32>
    %dot_general3A_128 = arith.constant dense<0.000000e+00> : vector<3200x64xf32>
    %dot_general3A_129 = tpu.matmul %slice3A_124, %get3A_127, %dot_general3A_128 {dimension_numbers = #tpu.dot_dimension_numbers<[1], [0], [0], [1], [0, 0, 1, 1], [], []>, transpose_lhs_hint = false} : vector<3200x16xf32>, vector<16x64xf32>, vector<3200x64xf32> -> vector<3200x64xf32>
    %get3A_130 = arith.constant 0 : index
    %get3A_131 = arith.constant 0 : index
    %get3A_132 = vector.load %arg3[%get3A_130, %get3A_131] : memref<1x64xf32, #tpu.memory_space<vmem>>, vector<1x64xf32>
    %add3A_133 = vector.broadcast %get3A_132 : vector<1x64xf32> to vector<3200x64xf32>
    %add3A_134 = arith.addf %dot_general3A_129, %add3A_133 : vector<3200x64xf32>
    %swap3A_135 = tpu.memref_reshape %arg4 : memref<25600x64xf32, #tpu.memory_space<vmem>> -> memref<3200x8x64xf32, #tpu.memory_space<vmem>>
    %swap3A_136 = arith.constant 0 : index
    %swap3A_137 = arith.constant 7 : index
    %swap3A_138 = arith.constant 0 : index
    %swap3A_139 = vector.load %swap3A_135[%swap3A_136, %swap3A_137, %swap3A_138] : memref<3200x8x64xf32, #tpu.memory_space<vmem>>, vector<3200x1x64xf32>
    %swap3A_140 = vector.shape_cast %swap3A_139 : vector<3200x1x64xf32> to vector<3200x64xf32>
    %swap3A_141 = vector.shape_cast %add3A_134 : vector<3200x64xf32> to vector<3200x1x64xf32>
    tpu.vector_store %swap3A_135[%swap3A_136, %swap3A_137, %swap3A_138], %swap3A_141 {strides = array<i32>} : memref<3200x8x64xf32, #tpu.memory_space<vmem>>, vector<3200x1x64xf32>,
    return
  }
  func.func @transform_0(%arg0: i32) -> (i32, i32) {
    %c0_i32 = arith.constant 0 : i32
    %c0_i32_0 = arith.constant 0 : i32
    return %arg0, %c0_i32 : i32, i32
  }
  func.func @transform_1(%arg0: i32) -> (i32, i32) {
    %c0_i32 = arith.constant 0 : i32
    %c0_i32_0 = arith.constant 0 : i32
    %c0_i32_1 = arith.constant 0 : i32
    return %c0_i32, %c0_i32_0 : i32, i32
  }
  func.func @transform_2(%arg0: i32) -> (i32, i32) {
    %c0_i32 = arith.constant 0 : i32
    %c0_i32_0 = arith.constant 0 : i32
    %c0_i32_1 = arith.constant 0 : i32
    return %c0_i32, %c0_i32_0 : i32, i32
  }
  func.func @transform_3(%arg0: i32) -> (i32, i32) {
    %c0_i32 = arith.constant 0 : i32
    %c0_i32_0 = arith.constant 0 : i32
    return %arg0, %c0_i32 : i32, i32
  }
}

</mosaic_0001>

<sc_bundles>
// kernel: kernel.4.cloned.1.call-start
scs
__scs_entry_jumppad:
0x0: {  	(pc) =	sbr.rel $0x88, $3  }
0x1: {  	(tag) =	ssettag $0x0;
	lr =	simm.s32 $0x1  }
0x2: {  	[smem:$0x3F9D] =	sst lr;
	_ =	strace $0xD0000000  }
0x3: {  	_ = 	snop  }
0x4: {  	_ = 	snop  }
0x5: {  	_ = 	snop  }
0x6: {  	_ = 	snop  }
0x7: {  	_ = 	snop  }
__scs_overlays_trampoline_lowered:
0x8: {  	[smem:$0x3FAC] =	sst s0  }
0x9: {  	[smem:$0x3FAD] =	sst s1  }
0xa: {  	[smem:$0x3FAE] =	sst s2  }
0xb: {  	[smem:$0x3FAF] =	sst s3  }
0xc: {  	[smem:$0x3FB0] =	sst s4  }
0xd: {  	[smem:$0x3FB1] =	sst s5  }
0xe: {  	[smem:$0x3FB2] =	sst s6  }
0xf: {  	[smem:$0x3FB3] =	sst s7  }
0x10: {  	[smem:$0x3FB4] =	sst s8  }
0x11: {  	[smem:$0x3FB5] =	sst s9;
	s0 =	simm.s32 @!p0 $0x0  }
0x12: {  	s1 =	sld [smem:$0x3F9B];
	s0 =	simm.s32 @p0 $0x1  }
0x13: {  	[smem:$0x3FB6] =	sst s0;
	s0 =	simm.s32 @!p1 $0x0  }
0x14: {  	s2 =	sld [smem:$0x3F9A];
	s0 =	simm.s32 @p1 $0x1  }
0x15: {  	[smem:$0x3FB7] =	sst s0;
	s0 =	simm.s32 @!p2 $0x0  }
0x16: {  	s3 =	sld [smem:$0x3FDB];
	s0 =	simm.s32 @p2 $0x1  }
0x17: {  	s4 =	simm.s32 $0x1BF5;
	[smem:$0x3FB9] =	sst s0  }
0x18: {  	s0 =	sld [smem:$0x3F9C];
	_ =	swait.ge [sflag:s4], $0x0  }
0x19: {  	s7 =	sld [smem:$0x3F9D]  }
0x1a: {  	s8 =	sadd.s32 $0xFFFFE003, lr  }
0x1b: {  	s9 =	sadd.s32 $0xFFFFFEF7, lr;
	s5 =	simm.s32 $0xFFFFFFFF;
	p2 =	slt.u32 s8, $0xFFFFF086  }
0x1c: {  	p1 =	slt.u32 s9, $0xF7A;
	s5 =	simm.s32 @!p2 $0x0  }
0x1d: {  	s5 =	simm.s32 @p1 $0x1;
	p0 =	seq.s32 s7, s2  }
0x1e: {  	s7 =	smul.u32 @!p0 $0xF7A, s2;
	p2 =	seq.s32 @!p0 s5, $0x0  }
0x1f: {  	s9 =	smul.u32 $0xF7A, s1;
	s8 =	simm.s32 @!p0 $0x1BF5;
	p2 =	por !p2, p0  }
0x20: {  	[sflag:s8] =	ssyncset.s32 @!p0 $0xFFFFF086;
	s6 =	sadd.s32 @!p0 s3, s7;
	s7 =	simm.s32 @!p0 $0x108  }
0x21: {  	s3 =	sadd.s32 s3, s9;
	s6 =	sadd.s32 @!p0 $0x88, s6;
	s7 =	simm.s32 @p2 $0x1082  }
0x22: {  	[simem:s7], [sflag:s8] =	dma.local @!p0 [hbm:s6], $0xF7A  }
0x23: {  	s9 =	sor.u32 $0xD0000000, s2;
	s6 =	simm.s32 $0x108;
	_ =	swait.ge @!p0 [sflag:s8], $0x0  }
0x24: {  	s3 =	sadd.s32 $0x88, s3;
	s6 =	simm.s32 @!p1 $0x1082;
	[sflag:s4] =	ssyncset.s32 $0xFFFFF086  }
0x25: {  	[simem:s6], [sflag:s4] =	dma.local [hbm:s3], $0xF7A  }
0x26: {  	[smem:$0x3F9D] =	sst s1;
	(tag) =	ssettag s2;
	_ =	strace s9  }
0x27: {  	s1 =	sld [smem:$0x3FAD]  }
0x28: {  	s2 =	sld [smem:$0x3FAE]  }
0x29: {  	s4 =	sld [smem:$0x3FB0]  }
0x2a: {  	p0 =	seq.s32 s5, $0x0;
	s5 =	sld [smem:$0x3FB1]  }
0x2b: {  	s6 =	sld [smem:$0x3FB2]  }
0x2c: {  	s7 =	sld [smem:$0x3FB3]  }
0x2d: {  	s3 =	simm.s32 $0x108;
	s8 =	sld [smem:$0x3FB4]  }
0x2e: {  	s3 =	simm.s32 @!p0 $0x1082;
	s9 =	sld [smem:$0x3FB5]  }
0x2f: {  	lr =	sadd.s32 s0, s3;
	s0 =	sld [smem:$0x3FAC]  }
0x30: {  	s3 =	sld [smem:$0x3FAF]  }
0x31: {  	[smem:$0x3FB8] =	sst s10  }
0x32: {  	s10 =	sld [smem:$0x3FB6];
	_ =	sdelay $0x3  }
0x33: {  	p0 =	seq.s32 s10, $0x1;
	s10 =	sld [smem:$0x3FB8];
	_ =	sdelay $0x3  }
0x34: {  	[smem:$0x3FB8] =	sst s10  }
0x35: {  	s10 =	sld [smem:$0x3FB7];
	_ =	sdelay $0x3  }
0x36: {  	p1 =	seq.s32 s10, $0x1;
	s10 =	sld [smem:$0x3FB8];
	_ =	sdelay $0x3  }
0x37: {  	[smem:$0x3FB8] =	sst s10  }
0x38: {  	s10 =	sld [smem:$0x3FB9]  }
0x39: {  	_ = 	snop;
	(pc) =	sbr.ind lr, $3  }
0x3a: {  	_ = 	snop  }
0x3b: {  	_ = 	snop  }
0x3c: {  	p2 =	seq.s32 s10, $0x1;
	s10 =	sld [smem:$0x3FB8]  }
0x3d: {  	_ =	shalt  }
0x3e: {  	_ =	shalt  }
0x3f: {  	_ =	shalt  }
0x40: {  	_ =	shalt  }
0x41: {  	_ =	shalt  }
0x42: {  	_ =	shalt  }
0x43: {  	_ =	shalt  }
0x44: {  	_ =	shalt  }
0x45: {  	_ =	shalt  }
0x46: {  	_ =	shalt  }
0x47: {  	_ =	shalt  }
0x48: {  	_ =	shalt  }
0x49: {  	_ =	shalt  }
0x4a: {  	_ =	shalt  }
0x4b: {  	_ =	shalt  }
0x4c: {  	_ =	shalt  }
0x4d: {  	_ =	shalt  }
0x4e: {  	_ =	shalt  }
0x4f: {  	_ =	shalt  }
0x50: {  	_ =	shalt  }
0x51: {  	_ =	shalt  }
0x52: {  	_ =	shalt  }
0x53: {  	_ =	shalt  }
0x54: {  	_ =	shalt  }
0x55: {  	_ =	shalt  }
0x56: {  	_ =	shalt  }
0x57: {  	_ =	shalt  }
0x58: {  	_ =	shalt  }
0x59: {  	_ =	shalt  }
0x5a: {  	_ =	shalt  }
0x5b: {  	_ =	shalt  }
0x5c: {  	_ =	shalt  }
0x5d: {  	_ =	shalt  }
0x5e: {  	_ =	shalt  }
0x5f: {  	_ =	shalt  }
0x60: {  	_ =	shalt  }
0x61: {  	_ =	shalt  }
0x62: {  	_ =	shalt  }
0x63: {  	_ =	shalt  }
0x64: {  	_ =	shalt  }
0x65: {  	_ =	shalt  }
0x66: {  	_ =	shalt  }
0x67: {  	_ =	shalt  }
0x68: {  	_ =	shalt  }
0x69: {  	_ =	shalt  }
0x6a: {  	_ =	shalt  }
0x6b: {  	_ =	shalt  }
0x6c: {  	_ =	shalt  }
0x6d: {  	_ =	shalt  }
0x6e: {  	_ =	shalt  }
0x6f: {  	_ =	shalt  }
0x70: {  	_ =	shalt  }
0x71: {  	_ =	shalt  }
0x72: {  	_ =	shalt  }
0x73: {  	_ =	shalt  }
0x74: {  	_ =	shalt  }
0x75: {  	_ =	shalt  }
0x76: {  	_ =	shalt  }
0x77: {  	_ =	shalt  }
0x78: {  	_ =	shalt  }
0x79: {  	_ =	shalt  }
0x7a: {  	_ =	shalt  }
0x7b: {  	_ =	shalt  }
0x7c: {  	_ =	shalt  }
0x7d: {  	_ =	shalt  }
0x7e: {  	_ =	shalt  }
0x7f: {  	_ =	shalt  }
0x80: {  	_ =	shalt  }
0x81: {  	_ =	shalt  }
0x82: {  	_ =	shalt  }
0x83: {  	_ =	shalt  }
0x84: {  	_ =	shalt  }
0x85: {  	_ =	shalt  }
0x86: {  	_ =	shalt  }
0x87: {  	_ =	shalt  }
.Lfunc_end0:
.L_simem_size_0:
called_computation.1_lowered:
.L_overlay_start_0:
0x88: {  	s2 =	sld [smem:$0x3FD9]  }
0x89: {  	s3 =	sld [smem:$0x3FFE];
	_ =	sdelay $0x1  }
0x8a: {  	s1 =	srdreg.scid  }
0x8b: {  	s0 =	sand.u32 $0x1, s1  }
0x8c: {  	s17 =	sshll.u32 s0, $0xA;
	s2 =	sadd.s32 s3, s2  }
0x8d: {  	s2 =	sadd.s32 s2, s17  }
0x8e: {  	[smem:$0x3FC4] =	sst s2  }
0x8f: {  	_ = 	snop  }
0x90: {  	s2 =	sld [smem:$0x3FD0];
	(tm) =	ssettm $0x1  }
0x91: {  	s18 =	sld [smem:$0x3FFB];
	_ =	sdelay $0x3  }
0x92: {  	_ =	strace s18  }
0x93: {  	s3 =	sld [smem:$0x3FFC];
	_ =	sdelay $0x3  }
0x94: {  	_ =	strace s3  }
0x95: {  	s3 =	sld [smem:$0x3FFD];
	_ =	sdelay $0x3  }
0x96: {  	_ =	strace s3  }
0x97: {  	_ =	strace $0x8FFFFFFF  }
0x98: {  	s19 =	sld [smem:$0x3FDB];
	_ =	sdelay $0x1  }
0x99: {  	s4 =	simm.s32 $_scs_section_size  }
0x9a: {  	s5 =	simm.s32 $_size__tile_overlayer_lowered;
	s6 =	simm.s32 $_tile_overlayer_lowered  }
0x9b: {  	s22 =	simm.s32 $0x1BFF;
	s21 =	sshll.u32 s6, $0x1;
	s3 =	sadd.s32 s4, s19  }
0x9c: {  	s7 =	simm.s32 $0x0;
	s20 =	sshll.u32 s5, $0x1;
	s5 =	sadd.s32 s21, s3  }
0x9d: {  	[timem:s7], [sflag:s22] =	dma.local [hbm:s5], s20  }
0x9e: {  	_ =	swait.ge [sflag:s22], s20  }
0x9f: {  	s4 =	ssub.s32 $0x0, s20;
	[sflag:s22] =	ssyncset.done $0x0  }
0xa0: {  	[sflag:s22] =	ssyncadd.s32 s4;
	_ =	sdelay $0x1  }
0xa1: {  	s23 =	simm.s32 $0x1B8B  }
0xa2: {  	_ =	swait.ge [sflag:s23], $0x1  }
0xa3: {  	[sflag:s23] =	ssyncset.done $0x0  }
0xa4: {  	s25 =	simm.s32 $0x1B8E;
	s24 =	sld [smem:$0x3FFE];
	[sflag:s23] =	ssyncadd.s32 $0xFFFFFFFF  }
0xa5: {  	s26 =	simm.s32 $execute0_lowered;
	[smem:$0x3FD2] =	sst s25  }
0xa6: {  	s5 =	sshll.u32 s26, $0x1;
	_ =	strace $0x80000046;
	[dreg:$0x1] =	wrdreg $0xFFFFFFFF  }
0xa7: {  	s28 =	simm.s32 $_size_execute0_lowered;
	s3 =	sadd.s32 s3, s5;
	[dreg:$0x0] =	wrdreg $0x0  }
0xa8: {  	s5 =	sshll.u32 s28, $0x1;
	[dreg:$0x2] =	wrdreg s3  }
0xa9: {  	[dreg:$0x3] =	wrdreg s5  }
0xaa: {  	[dreg:$0x4] =	wrdreg $0xC0  }
0xab: {  	_ =	task [dreg:s7], $0x5FFFF  }
0xac: {  	[dreg:$0x1] =	wrdreg $0xFFFFFFFF  }
0xad: {  	[dreg:$0x0] =	wrdreg $0x60  }
0xae: {  	[dreg:$0x2] =	wrdreg s24  }
0xaf: {  	[dreg:$0x3] =	wrdreg s2  }
0xb0: {  	[dreg:$0x4] =	wrdreg $0x9  }
0xb1: {  	_ =	task.clear_ibuf [dreg:s7], $0x5FFFF;
	_ =	strace $0x90000046  }
0xb2: {  	s29 =	simm.s32 $0x9;
	_ =	strace $0x80000048  }
0xb3: {  	_ =	swait.ge [sflag:s29], $0x1  }
0xb4: {  	[sflag:s29] =	ssyncadd.s32 $0xFFFFFFFF  }
0xb5: {  	_ =	strace $0x90000048  }
0xb6: {  	_ =	sfence  }
0xb7: {  	s30 =	sld [smem:$0x0];
	_ =	sdelay $0x2  }
0xb8: {  	s31 =	sshll.u32 s1, $0xD;
	s1 =	sshrl.u32 s1, $0x2  }
0xb9: {  	s3 =	sand.u32 $0x4000, s31;
	s1 =	sadd.s32 s1, s30  }
0xba: {  	s0 =	sor.u32 s3, s0;
	s1 =	sshll.u32 s1, $0x11  }
0xbb: {  	s0 =	sor.u32 s1, s0  }
0xbc: {  	s0 =	sadd.s32 $0x8F2B, s0  }
0xbd: {  	[sflag:s0] =	ssyncadd.remote.s32 $0x1  }
0xbe: {  	_ =	sfence.sel $0xFFFF  }
0xbf: {  	[dreg:$0x0] =	wrdreg $0xFFFFFFFF;
	(pc) =	sbr.abs _section_cstart, $3  }
0xc0: {  	[dreg:$0x1] =	wrdreg $0xFFFFFFFF  }
0xc1: {  	_ =	task.clear_ibuf [dreg:s7], $0x2FFFF;
	_ =	strace $0x9FFFFFFF  }
0xc2: {  	(tm) =	ssettm $0x7FFFFFFF  }
0xc3: {  	_ =	shalt  }
tec
execute0_lowered:
.L_overlay_start_1:
0x0: {  	(tag) =	ssettag $0x1  }
0x1: {  	s6 =	rddreg [dreg:$0x0];
	s1 =	srdreg.scid  }
0x2: {  	s0 =	stileid.u32;
	s2 =	rddreg [dreg:$0x1];
	s3 =	simm.s32 $0x0  }
0x3: {  	v1 =	vlaneseq.u32;
	s9 =	simm.s32 $0x160;
	s10 =	simm.s32 $0x6560;
	s11 =	simm.s32 $0x9760  }
0x4: {  	s12 =	simm.s32 $0x1;
	s5 =	sand.u32 $0x1, s1;
	s4 =	sshll.u32 s0, $0x1;
	v0 =	vand.u32 $0x7, v1  }
0x5: {  	s13 =	simm.s32 $0x2;
	s14 =	simm.s32 $0x0;
	s4 =	sor.u32 s5, s4;
	v0 =	vmul.u32 $0x10, v0  }
0x6: {  	[smem:$0x7FF] =	sst s3;
	v2 =	vshrl.u32 v1, $0x3;
	s7 =	ssub.s32 $0x2, s5;
	s4 =	smul.u32 $0xC80, s4  }
0x7: {  	s1 =	rddreg [dreg:$0x2];
	v1 =	vimm.f32 $0.0e+00;
	_ =	strace $0x80000047;
	v2 =	vmul.u32 $0x80, v2;
	s8 =	sshrl.u32 s7, $0x1;
	v3 =	vor.u32 $0x1, v0  }
0x8: {  	s5 =	sadd.s32 $0xC00, s6;
	s7 =	ssub.s32 s7, s8;
	v4 =	vor.u32 $0x2, v0;
	v5 =	vor.u32 $0x3, v0;
	v6 =	vor.u32 $0x4, v0;
	s6 =	sadd.s32 s4, s6  }
0x9: {  	s8 =	simm.s32 $0x3;
	v7 =	vor.u32 $0x5, v0;
	v8 =	vor.u32 $0x6, v0;
	v9 =	vor.u32 $0x7, v0;
	s7 =	smax.u32 s7, $0x1;
	s6 =	sadd.s32 $0xE00, s6  }
.LBB2_1:
0xa: {  	[tilespmem:s3], [sflag:$0x3] =	stream.linear.gather [hbm4b:s5+s3], $0x160, $0x38;
	[tilespmem:$0xC960] =	vst v63  }
0xb: {  	_ =	swait.ge [sflag:s8], $0x160  }
0xc: {  	[sflag:s8] =	ssyncset.done $0x0  }
0xd: {  	[sflag:s8] =	ssyncadd.s32 $0xFFFFFEA0  }
0xe: {  	[tilespmem:s9], [sflag:$0x3] =	stream.linear.gather [hbm4b:s6+s3], $0x6400, $0x38;
	[tilespmem:$0xC960] =	vst v63  }
0xf: {  	_ =	swait.ge [sflag:s8], $0x6400  }
0x10: {  	[sflag:s8] =	ssyncset.done $0x0  }
0x11: {  	s15 =	simm.s32 $0x40;
	s16 =	simm.s32 $0x300;
	[sflag:s8] =	ssyncadd.s32 $0xFFFF9C00  }
.LBB2_2:
0x12: {  	p0 =	sne.s32 s16, $0xC700;
	[tilespmem:s15+$0x9790] =	vst v1  }
0x13: {  	[tilespmem:s15+$0x6520] =	vst v1  }
0x14: {  	[tilespmem:s15+$0x6530] =	vst v1  }
0x15: {  	[tilespmem:s15+$0x6540] =	vst v1  }
0x16: {  	[tilespmem:s15+$0x6550] =	vst v1  }
0x17: {  	[tilespmem:s15+$0x6560] =	vst v1  }
0x18: {  	[tilespmem:s15+$0x6570] =	vst v1  }
0x19: {  	[tilespmem:s15+$0x6580] =	vst v1  }
0x1a: {  	[tilespmem:s15+$0x6590] =	vst v1  }
0x1b: {  	[tilespmem:s15+$0x9720] =	vst v1  }
0x1c: {  	[tilespmem:s15+$0x9730] =	vst v1  }
.Ltmp0:
0x1d: {  	[tilespmem:s15+$0x9740] =	vst v1;
	(pc) =	sbr.rel @p0 .LBB2_2-.Ltmp0, $4  }
0x1e: {  	[tilespmem:s15+$0x9750] =	vst v1  }
0x1f: {  	[tilespmem:s15+$0x9760] =	vst v1  }
0x20: {  	[tilespmem:s15+$0x9770] =	vst v1  }
0x21: {  	[tilespmem:s15+$0x9780] =	vst v1;
	s15 =	sshra.s32 s16, $0x2;
	s16 =	sadd.s32 $0x200, s16  }
0x22: {  	[tilespmem:s15+$0x9790] =	vst v1  }
0x23: {  	[tilespmem:s15+$0x6520] =	vst v1  }
0x24: {  	[tilespmem:s15+$0x6530] =	vst v1  }
0x25: {  	[tilespmem:s15+$0x6540] =	vst v1  }
0x26: {  	[tilespmem:s15+$0x6550] =	vst v1  }
0x27: {  	[tilespmem:s15+$0x6560] =	vst v1  }
0x28: {  	[tilespmem:s15+$0x6570] =	vst v1  }
0x29: {  	[tilespmem:s15+$0x6580] =	vst v1  }
0x2a: {  	[tilespmem:s15+$0x6590] =	vst v1  }
0x2b: {  	[tilespmem:s15+$0x9720] =	vst v1  }
0x2c: {  	[tilespmem:s15+$0x9730] =	vst v1  }
0x2d: {  	[tilespmem:s15+$0x9740] =	vst v1  }
0x2e: {  	[tilespmem:s15+$0x9750] =	vst v1  }
0x2f: {  	[tilespmem:s15+$0x9760] =	vst v1  }
0x30: {  	[tilespmem:s15+$0x9770] =	vst v1  }
0x31: {  	[tilespmem:s15+$0x9780] =	vst v1;
	s15 =	simm.s32 $0x0;
	s16 =	simm.s32 $0x170;
	s17 =	simm.s32 $0x490  }
.LBB2_4:
0x32: {  	p0 =	seq.s32 s15, $0x0  }
0x33: {  	s18 =	simm.s32 @!p0 $0x1  }
0x34: {  	_ =	swait.ge @!p0 [sflag:s18], $0x3200  }
0x35: {  	[sflag:s18] =	ssyncset.done @!p0 $0x0  }
0x36: {  	[sflag:s18] =	ssyncadd.s32 @!p0 $0xFFFFCE00  }
0x37: {  	v10 =	vld [tilespmem:s16+$0xFFFFFFF0]  }
0x38: {  	v11 =	vld [tilespmem:s16+$0x0];
	_ =	sdelay $0x3  }
0x39: {  	v20 =	vshll.u32 v10, $0x4  }
0x3a: {  	s25 =	simm.s32 $0x0;
	v18 =	vshll.u32 v11, $0x4  }
0x3b: {  	s19 =	simm.s32 $0x2;
	v10 =	vmov s25  }
0x3c: {  	v11 =	vmov s19;
	v10 =	vshll.u32 v10, $0x7  }
0x3d: {  	v19 =	vor.u32 v2, v10;
	v10 =	vshll.u32 v11, $0x7  }
0x3e: {  	v12 =	vor.u32 v0, v19;
	v22 =	vor.u32 v2, v10;
	v11 =	vld.idx.msk [tilespmem:v20+s3+$0x0], $0xffff  }
0x3f: {  	v10 =	vor.u32 $0x1, v20;
	v14 =	vor.u32 v0, v22;
	v13 =	vld.idx.msk [tilespmem:v18+s3+$0x0], $0xffff  }
0x40: {  	v15 =	vor.u32 $0x1, v18  }
0x41: {  	s26 =	sadd.s32 $0x20, s16  }
0x42: {  	v16 =	vld [tilespmem:s26+$0xFFFFFFF0]  }
0x43: {  	[tilespmem:v12+s10+$0x0] =	vst.idx.msk $0xffff, v11;
	v11 =	vld [tilespmem:s26+$0x0]  }
0x44: {  	v17 =	vor.u32 v3, v19;
	[tilespmem:v14+s10+$0x0] =	vst.idx.msk $0xffff, v13;
	v10 =	vld.idx.msk [tilespmem:v10+s3+$0x0], $0xffff  }
0x45: {  	v21 =	vor.u32 v3, v22;
	v14 =	vor.u32 $0x2, v20;
	v15 =	vld.idx.msk [tilespmem:v15+s3+$0x0], $0xffff  }
0x46: {  	v23 =	vor.u32 $0x2, v18  }
0x47: {  	v13 =	vshll.u32 v16, $0x4  }
0x48: {  	s28 =	simm.s32 $0x4;
	v12 =	vshll.u32 v11, $0x4  }
0x49: {  	s20 =	simm.s32 $0x6;
	v16 =	vor.u32 v4, v19;
	[tilespmem:v17+s10+$0x0] =	vst.idx.msk $0xffff, v10;
	v10 =	vmov s28  }
0x4a: {  	v11 =	vmov s20;
	[tilespmem:v21+s10+$0x0] =	vst.idx.msk $0xffff, v15;
	v15 =	vor.u32 v4, v22;
	v14 =	vld.idx.msk [tilespmem:v14+s3+$0x0], $0xffff;
	v10 =	vshll.u32 v10, $0x7  }
0x4b: {  	v21 =	vor.u32 $0x3, v20;
	v11 =	vshll.u32 v11, $0x7;
	v17 =	vld.idx.msk [tilespmem:v23+s3+$0x0], $0xffff;
	v10 =	vor.u32 v2, v10  }
0x4c: {  	v25 =	vor.u32 $0x3, v18;
	v23 =	vld.idx.msk [tilespmem:v13+s3+$0x0], $0xffff;
	v11 =	vor.u32 v2, v11;
	v24 =	vor.u32 v0, v10  }
0x4d: {  	v26 =	vor.u32 $0x1, v13;
	v28 =	vor.u32 v0, v11;
	v27 =	vld.idx.msk [tilespmem:v12+s3+$0x0], $0xffff  }
0x4e: {  	s18 =	sadd.s32 $0x20, s26;
	v29 =	vor.u32 $0x1, v12  }
0x4f: {  	[tilespmem:v16+s10+$0x0] =	vst.idx.msk $0xffff, v14;
	v14 =	vld [tilespmem:s18+$0xFFFFFFF0]  }
0x50: {  	[tilespmem:v15+s10+$0x0] =	vst.idx.msk $0xffff, v17;
	v15 =	vor.u32 v5, v19;
	v16 =	vld.idx.msk [tilespmem:v21+s3+$0x0], $0xffff  }
0x51: {  	v17 =	vld.idx.msk [tilespmem:v25+s3+$0x0], $0xffff;
	v21 =	vor.u32 $0x4, v20;
	[tilespmem:v24+s10+$0x0] =	vst.idx.msk $0xffff, v23;
	v23 =	vor.u32 v5, v22  }
0x52: {  	v25 =	vor.u32 $0x4, v18;
	v24 =	vld.idx.msk [tilespmem:v26+s3+$0x0], $0xffff;
	[tilespmem:v28+s10+$0x0] =	vst.idx.msk $0xffff, v27;
	v26 =	vor.u32 v3, v10  }
0x53: {  	v28 =	vor.u32 $0x2, v13;
	v27 =	vld.idx.msk [tilespmem:v29+s3+$0x0], $0xffff  }
0x54: {  	v30 =	vor.u32 v3, v11;
	v29 =	vld [tilespmem:s18+$0x0]  }
0x55: {  	[tilespmem:v15+s10+$0x0] =	vst.idx.msk $0xffff, v16;
	v15 =	vor.u32 $0x2, v12  }
0x56: {  	v14 =	vshll.u32 v14, $0x4;
	v21 =	vld.idx.msk [tilespmem:v21+s3+$0x0], $0xffff;
	[tilespmem:v23+s10+$0x0] =	vst.idx.msk $0xffff, v17;
	v17 =	vor.u32 v6, v19  }
0x57: {  	s29 =	simm.s32 $0x8;
	v31 =	vor.u32 v6, v22;
	v23 =	vld.idx.msk [tilespmem:v25+s3+$0x0], $0xffff;
	v25 =	vor.u32 $0x5, v20;
	[tilespmem:v26+s10+$0x0] =	vst.idx.msk $0xffff, v24  }
0x58: {  	s21 =	sadd.s32 $0x20, s18;
	v24 =	vor.u32 $0x5, v18;
	v26 =	vld.idx.msk [tilespmem:v28+s3+$0x0], $0xffff;
	v28 =	vmov s29  }
0x59: {  	v63 =	vld [tilespmem:s21+$0x0];
	v16 =	vshll.u32 v29, $0x4;
	[tilespmem:v30+s10+$0x0] =	vst.idx.msk $0xffff, v27;
	v27 =	vor.u32 v4, v10;
	v28 =	vshll.u32 v28, $0x7  }
0x5a: {  	s30 =	simm.s32 $0xA;
	v30 =	vor.u32 v4, v11;
	v29 =	vld.idx.msk [tilespmem:v15+s3+$0x0], $0xffff;
	v15 =	vor.u32 v2, v28  }
0x5b: {  	v32 =	vld.idx.msk [tilespmem:v14+s3+$0x0], $0xffff;
	v28 =	vor.u32 $0x3, v13;
	[tilespmem:v17+s10+$0x0] =	vst.idx.msk $0xffff, v21;
	v21 =	vor.u32 v0, v15;
	v17 =	vmov s30  }
0x5c: {  	v33 =	vor.u32 $0x3, v12;
	v25 =	vld.idx.msk [tilespmem:v25+s3+$0x0], $0xffff;
	[tilespmem:v31+s10+$0x0] =	vst.idx.msk $0xffff, v23;
	v17 =	vshll.u32 v17, $0x7;
	v31 =	vor.u32 v7, v19  }
0x5d: {  	v36 =	vor.u32 v7, v22;
	v23 =	vor.u32 $0x1, v14;
	v24 =	vld.idx.msk [tilespmem:v24+s3+$0x0], $0xffff;
	v17 =	vor.u32 v2, v17  }
0x5e: {  	v34 =	vor.u32 $0x6, v20;
	v35 =	vld.idx.msk [tilespmem:v16+s3+$0x0], $0xffff;
	[tilespmem:v27+s10+$0x0] =	vst.idx.msk $0xffff, v26;
	v27 =	vor.u32 v0, v17  }
0x5f: {  	v37 =	vor.u32 $0x6, v18;
	v26 =	vld [tilespmem:s21+$0xFFFFFFF0];
	[tilespmem:v30+s10+$0x0] =	vst.idx.msk $0xffff, v29  }
0x60: {  	v38 =	vor.u32 $0x1, v16;
	v28 =	vld.idx.msk [tilespmem:v28+s3+$0x0], $0xffff;
	[tilespmem:v21+s10+$0x0] =	vst.idx.msk $0xffff, v32;
	v21 =	vor.u32 v5, v10  }
0x61: {  	v58 =	vor.u32 v5, v11;
	v30 =	vor.u32 $0x4, v13;
	v29 =	vld.idx.msk [tilespmem:v33+s3+$0x0], $0xffff;
	[tilespmem:v31+s10+$0x0] =	vst.idx.msk $0xffff, v25  }
0x62: {  	v23 =	vld.idx.msk [tilespmem:v23+s3+$0x0], $0xffff;
	v25 =	vor.u32 v3, v15;
	v31 =	vor.u32 $0x4, v12;
	[tilespmem:v36+s10+$0x0] =	vst.idx.msk $0xffff, v24  }
0x63: {  	v59 =	vld.idx.msk [tilespmem:v34+s3+$0x0], $0xffff;
	v24 =	vor.u32 $0x2, v14;
	[tilespmem:v27+s10+$0x0] =	vst.idx.msk $0xffff, v35;
	v27 =	vor.u32 v8, v19  }
0x64: {  	v61 =	vor.u32 $0x7, v20;
	v62 =	vor.u32 v8, v22;
	v60 =	vld.idx.msk [tilespmem:v37+s3+$0x0], $0xffff  }
0x65: {  	v39 =	vor.u32 v3, v17;
	v35 =	vld.idx.msk [tilespmem:v38+s3+$0x0], $0xffff;
	[tilespmem:v21+s10+$0x0] =	vst.idx.msk $0xffff, v28;
	v28 =	vor.u32 $0x7, v18  }
0x66: {  	v41 =	vor.u32 v9, v19;
	v40 =	vor.u32 $0x2, v16;
	[tilespmem:v58+s10+$0x0] =	vst.idx.msk $0xffff, v29;
	v30 =	vld.idx.msk [tilespmem:v30+s3+$0x0], $0xffff  }
0x67: {  	v18 =	vshll.u32 v26, $0x4;
	[tilespmem:v25+s10+$0x0] =	vst.idx.msk $0xffff, v23;
	v23 =	vor.u32 v6, v10;
	v29 =	vld.idx.msk [tilespmem:v31+s3+$0x0], $0xffff  }
0x68: {  	v42 =	vor.u32 $0x5, v13;
	v43 =	vor.u32 v6, v11;
	v21 =	vshll.u32 v63, $0x4;
	v31 =	vld.idx.msk [tilespmem:v24+s3+$0x0], $0xffff;
	[tilespmem:v27+s10+$0x0] =	vst.idx.msk $0xffff, v59  }
0x69: {  	s31 =	simm.s32 $0xC;
	v45 =	vor.u32 $0x5, v12;
	v20 =	vor.u32 $0x6, v16;
	v44 =	vor.u32 v4, v15;
	[tilespmem:v62+s10+$0x0] =	vst.idx.msk $0xffff, v60;
	v46 =	vld.idx.msk [tilespmem:v61+s3+$0x0], $0xffff  }
0x6a: {  	v33 =	vor.u32 v4, v17;
	v34 =	vor.u32 $0x3, v14;
	v24 =	vmov s31;
	[tilespmem:v39+s10+$0x0] =	vst.idx.msk $0xffff, v35;
	v26 =	vld.idx.msk [tilespmem:v28+s3+$0x0], $0xffff  }
0x6b: {  	v19 =	vor.u32 $0x6, v12;
	v27 =	vor.u32 v9, v22;
	v22 =	vshll.u32 v24, $0x7;
	v32 =	vld.idx.msk [tilespmem:v40+s3+$0x0], $0xffff  }
0x6c: {  	s19 =	simm.s32 $0xE;
	v25 =	vor.u32 $0x6, v13;
	v38 =	vor.u32 $0x1, v18;
	v22 =	vor.u32 v2, v22;
	v36 =	vld.idx.msk [tilespmem:v18+s3+$0x0], $0xffff;
	[tilespmem:v23+s10+$0x0] =	vst.idx.msk $0xffff, v30  }
0x6d: {  	v35 =	vor.u32 $0x3, v16;
	v37 =	vor.u32 v0, v22;
	v39 =	vld.idx.msk [tilespmem:v21+s3+$0x0], $0xffff;
	v23 =	vmov s19;
	[tilespmem:v43+s10+$0x0] =	vst.idx.msk $0xffff, v29  }
0x6e: {  	v24 =	vor.u32 $0x6, v21;
	v30 =	vor.u32 v7, v10;
	v28 =	vld.idx.msk [tilespmem:v42+s3+$0x0], $0xffff;
	v23 =	vshll.u32 v23, $0x7;
	[tilespmem:v44+s10+$0x0] =	vst.idx.msk $0xffff, v31  }
0x6f: {  	s20 =	simm.s32 $0x6;
	s18 =	sshll.u32 s15, $0x1;
	s21 =	sadd.s32 $0x20, s21;
	v29 =	vld.idx.msk [tilespmem:v45+s3+$0x0], $0xffff;
	v31 =	vor.u32 v7, v11;
	v23 =	vor.u32 v2, v23;
	[tilespmem:v41+s10+$0x0] =	vst.idx.msk $0xffff, v46  }
.LBB2_5:
0x70: {  	v40 =	vld [tilespmem:s21+$0xFFFFFFF0];
	s20 =	sadd.s32 $0x2, s20;
	v41 =	vor.u32 v0, v23;
	[tilespmem:v27+s10+$0x0] =	vst.idx.msk $0xffff, v26  }
0x71: {  	v26 =	vor.u32 $0x1, v21;
	p1 =	slt.u32 s20, $0x30;
	v27 =	vld.idx.msk [tilespmem:v34+s3+$0x0], $0xffff;
	[tilespmem:v33+s10+$0x0] =	vst.idx.msk $0xffff, v32  }
0x72: {  	v32 =	vor.u32 v5, v15;
	[tilespmem:v37+s10+$0x0] =	vst.idx.msk $0xffff, v36;
	v33 =	vld.idx.msk [tilespmem:v35+s3+$0x0], $0xffff  }
0x73: {  	v35 =	vor.u32 $0x4, v14;
	v36 =	vor.u32 v5, v17;
	v34 =	vld.idx.msk [tilespmem:v38+s3+$0x0], $0xffff;
	[tilespmem:v30+s10+$0x0] =	vst.idx.msk $0xffff, v28  }
0x74: {  	v28 =	vor.u32 v3, v22;
	v30 =	vor.u32 $0x4, v16;
	v25 =	vld.idx.msk [tilespmem:v25+s3+$0x0], $0xffff;
	[tilespmem:v31+s10+$0x0] =	vst.idx.msk $0xffff, v29  }
0x75: {  	v29 =	vor.u32 $0x2, v18;
	v31 =	vor.u32 v8, v10;
	[tilespmem:v41+s10+$0x0] =	vst.idx.msk $0xffff, v39;
	v37 =	vld.idx.msk [tilespmem:v19+s3+$0x0], $0xffff;
	v19 =	vmov v20  }
0x76: {  	v38 =	vor.u32 $0x7, v13;
	v13 =	vmovc v14;
	v14 =	vmovc v18;
	v39 =	vor.u32 v8, v11;
	v20 =	vmov v24;
	v26 =	vld.idx.msk [tilespmem:v26+s3+$0x0], $0xffff  }
0x77: {  	v41 =	vor.u32 v3, v23;
	v24 =	vld [tilespmem:s21+$0x0];
	[tilespmem:v32+s10+$0x0] =	vst.idx.msk $0xffff, v27;
	v27 =	vor.u32 $0x7, v12;
	v12 =	vmovc v16;
	v16 =	vmov v21  }
0x78: {  	v42 =	vor.u32 v9, v10;
	v10 =	vmov v15;
	v32 =	vor.u32 $0x2, v16;
	v35 =	vld.idx.msk [tilespmem:v35+s3+$0x0], $0xffff;
	[tilespmem:v36+s10+$0x0] =	vst.idx.msk $0xffff, v33  }
0x79: {  	v15 =	vmov v22;
	v18 =	vshll.u32 v40, $0x4;
	[tilespmem:v28+s10+$0x0] =	vst.idx.msk $0xffff, v34;
	v28 =	vor.u32 v6, v10;
	v30 =	vld.idx.msk [tilespmem:v30+s3+$0x0], $0xffff  }
0x7a: {  	s19 =	sadd.s32 $0x4, s19;
	v43 =	vor.u32 v6, v17;
	v40 =	vor.u32 $0x5, v13;
	v29 =	vld.idx.msk [tilespmem:v29+s3+$0x0], $0xffff;
	[tilespmem:v31+s10+$0x0] =	vst.idx.msk $0xffff, v25  }
0x7b: {  	s22 =	sadd.s32 $0xFFFFFFFE, s19;
	v44 =	vor.u32 $0x5, v12;
	v31 =	vor.u32 v4, v15;
	v45 =	vld.idx.msk [tilespmem:v38+s3+$0x0], $0xffff;
	[tilespmem:v39+s10+$0x0] =	vst.idx.msk $0xffff, v37  }
0x7c: {  	v22 =	vmov s22;
	v21 =	vshll.u32 v24, $0x4;
	[tilespmem:v41+s10+$0x0] =	vst.idx.msk $0xffff, v26;
	v26 =	vld.idx.msk [tilespmem:v27+s3+$0x0], $0xffff;
	v27 =	vor.u32 v9, v11;
	v11 =	vmovc v17  }
.Ltmp1:
0x7d: {  	v22 =	vshll.u32 v22, $0x7;
	v33 =	vor.u32 v4, v23;
	v17 =	vmovc v23;
	v24 =	vor.u32 $0x6, v21;
	v32 =	vld.idx.msk [tilespmem:v32+s3+$0x0], $0xffff;
	(pc) =	sbr.rel @p1 .LBB2_5-.Ltmp1, $4  }
0x7e: {  	v22 =	vor.u32 v2, v22;
	v34 =	vor.u32 $0x3, v14;
	v25 =	vor.u32 $0x6, v13;
	v36 =	vld.idx.msk [tilespmem:v18+s3+$0x0], $0xffff;
	[tilespmem:v28+s10+$0x0] =	vst.idx.msk $0xffff, v35  }
0x7f: {  	v37 =	vor.u32 v0, v22;
	v23 =	vmov s19;
	v35 =	vor.u32 $0x3, v16;
	v28 =	vld.idx.msk [tilespmem:v40+s3+$0x0], $0xffff;
	[tilespmem:v43+s10+$0x0] =	vst.idx.msk $0xffff, v30  }
0x80: {  	v38 =	vor.u32 $0x1, v18;
	v23 =	vshll.u32 v23, $0x7;
	v30 =	vor.u32 v7, v10;
	[tilespmem:v31+s10+$0x0] =	vst.idx.msk $0xffff, v29;
	v29 =	vld.idx.msk [tilespmem:v44+s3+$0x0], $0xffff  }
0x81: {  	s21 =	sadd.s32 $0x20, s21;
	v23 =	vor.u32 v2, v23;
	v31 =	vor.u32 v7, v11;
	v39 =	vld.idx.msk [tilespmem:v21+s3+$0x0], $0xffff;
	[tilespmem:v42+s10+$0x0] =	vst.idx.msk $0xffff, v45  }
0x82: {  	v40 =	vor.u32 v0, v23  }
0x83: {  	v41 =	vor.u32 $0x1, v21;
	_ =	sdelay $0x2  }
0x84: {  	[tilespmem:v37+s10+$0x0] =	vst.idx.msk $0xffff, v36  }
0x85: {  	v56 =	vor.u32 v3, v22;
	v36 =	vld.idx.msk [tilespmem:v38+s3+$0x0], $0xffff;
	[tilespmem:v40+s10+$0x0] =	vst.idx.msk $0xffff, v39  }
0x86: {  	v57 =	vor.u32 $0x2, v18;
	v58 =	vor.u32 v3, v23;
	v39 =	vld.idx.msk [tilespmem:v41+s3+$0x0], $0xffff  }
0x87: {  	v59 =	vor.u32 $0x2, v21;
	_ =	sdelay $0x2  }
0x88: {  	[tilespmem:v56+s10+$0x0] =	vst.idx.msk $0xffff, v36  }
0x89: {  	v60 =	vor.u32 v4, v22;
	v36 =	vld.idx.msk [tilespmem:v57+s3+$0x0], $0xffff;
	[tilespmem:v58+s10+$0x0] =	vst.idx.msk $0xffff, v39  }
0x8a: {  	v62 =	vor.u32 v4, v23;
	v63 =	vor.u32 $0x3, v18;
	v61 =	vld.idx.msk [tilespmem:v59+s3+$0x0], $0xffff  }
0x8b: {  	v45 =	vor.u32 $0x3, v21  }
0x8c: {  	[tilespmem:v33+s10+$0x0] =	vst.idx.msk $0xffff, v32  }
0x8d: {  	v42 =	vor.u32 v5, v17;
	v33 =	vld.idx.msk [tilespmem:v35+s3+$0x0], $0xffff  }
0x8e: {  	v34 =	vld.idx.msk [tilespmem:v34+s3+$0x0], $0xffff;
	v46 =	vor.u32 v5, v15;
	v48 =	vor.u32 $0x4, v16;
	[tilespmem:v60+s10+$0x0] =	vst.idx.msk $0xffff, v36  }
0x8f: {  	v47 =	vor.u32 $0x4, v14;
	v49 =	vor.u32 v5, v22;
	v37 =	vld.idx.msk [tilespmem:v63+s3+$0x0], $0xffff;
	[tilespmem:v62+s10+$0x0] =	vst.idx.msk $0xffff, v61  }
0x90: {  	v50 =	vor.u32 $0x4, v18;
	v51 =	vor.u32 v5, v23;
	v39 =	vld.idx.msk [tilespmem:v45+s3+$0x0], $0xffff  }
0x91: {  	v43 =	vor.u32 $0x4, v21  }
0x92: {  	[tilespmem:v42+s10+$0x0] =	vst.idx.msk $0xffff, v33  }
0x93: {  	v55 =	vor.u32 v6, v17;
	[tilespmem:v46+s10+$0x0] =	vst.idx.msk $0xffff, v34;
	v53 =	vld.idx.msk [tilespmem:v48+s3+$0x0], $0xffff  }
0x94: {  	v52 =	vor.u32 v6, v15;
	v32 =	vld.idx.msk [tilespmem:v47+s3+$0x0], $0xffff;
	v56 =	vor.u32 $0x5, v16;
	[tilespmem:v49+s10+$0x0] =	vst.idx.msk $0xffff, v37  }
0x95: {  	v54 =	vor.u32 $0x5, v14;
	v57 =	vor.u32 v6, v22;
	v38 =	vld.idx.msk [tilespmem:v50+s3+$0x0], $0xffff;
	[tilespmem:v51+s10+$0x0] =	vst.idx.msk $0xffff, v39  }
0x96: {  	v59 =	vor.u32 $0x5, v18;
	v60 =	vor.u32 v6, v23;
	v58 =	vld.idx.msk [tilespmem:v43+s3+$0x0], $0xffff  }
0x97: {  	[tilespmem:v27+s10+$0x0] =	vst.idx.msk $0xffff, v26;
	v26 =	vor.u32 $0x5, v21  }
0x98: {  	[tilespmem:v55+s10+$0x0] =	vst.idx.msk $0xffff, v53  }
0x99: {  	[tilespmem:v52+s10+$0x0] =	vst.idx.msk $0xffff, v32;
	v34 =	vld.idx.msk [tilespmem:v56+s3+$0x0], $0xffff;
	v63 =	vor.u32 v7, v17  }
0x9a: {  	v27 =	vld.idx.msk [tilespmem:v54+s3+$0x0], $0xffff;
	v61 =	vor.u32 v7, v15;
	[tilespmem:v57+s10+$0x0] =	vst.idx.msk $0xffff, v38  }
0x9b: {  	v62 =	vor.u32 $0x6, v14;
	v43 =	vor.u32 v7, v22;
	v41 =	vld.idx.msk [tilespmem:v59+s3+$0x0], $0xffff;
	[tilespmem:v60+s10+$0x0] =	vst.idx.msk $0xffff, v58  }
0x9c: {  	[tilespmem:v30+s10+$0x0] =	vst.idx.msk $0xffff, v28;
	v28 =	vor.u32 $0x6, v18;
	v30 =	vor.u32 v7, v23;
	v26 =	vld.idx.msk [tilespmem:v26+s3+$0x0], $0xffff  }
0x9d: {  	v25 =	vld.idx.msk [tilespmem:v25+s3+$0x0], $0xffff;
	[tilespmem:v31+s10+$0x0] =	vst.idx.msk $0xffff, v29;
	v29 =	vor.u32 v8, v10  }
0x9e: {  	v13 =	vor.u32 $0x7, v13;
	v31 =	vor.u32 v8, v11;
	v19 =	vld.idx.msk [tilespmem:v19+s3+$0x0], $0xffff;
	[tilespmem:v63+s10+$0x0] =	vst.idx.msk $0xffff, v34  }
0x9f: {  	v12 =	vor.u32 $0x7, v12;
	v45 =	vor.u32 v8, v17;
	v20 =	vld.idx.msk [tilespmem:v20+s3+$0x0], $0xffff;
	[tilespmem:v61+s10+$0x0] =	vst.idx.msk $0xffff, v27  }
0xa0: {  	v44 =	vor.u32 v8, v15;
	v16 =	vor.u32 $0x7, v16;
	v27 =	vld.idx.msk [tilespmem:v62+s3+$0x0], $0xffff;
	[tilespmem:v43+s10+$0x0] =	vst.idx.msk $0xffff, v41  }
0xa1: {  	v14 =	vor.u32 $0x7, v14;
	v28 =	vld.idx.msk [tilespmem:v28+s3+$0x0], $0xffff;
	[tilespmem:v30+s10+$0x0] =	vst.idx.msk $0xffff, v26;
	v26 =	vor.u32 v8, v22  }
0xa2: {  	[tilespmem:v29+s10+$0x0] =	vst.idx.msk $0xffff, v25;
	v25 =	vor.u32 v8, v23;
	v18 =	vor.u32 $0x7, v18;
	v24 =	vld.idx.msk [tilespmem:v24+s3+$0x0], $0xffff  }
0xa3: {  	v10 =	vor.u32 v9, v10;
	v13 =	vld.idx.msk [tilespmem:v13+s3+$0x0], $0xffff;
	[tilespmem:v31+s10+$0x0] =	vst.idx.msk $0xffff, v19;
	v19 =	vor.u32 $0x7, v21  }
0xa4: {  	v11 =	vor.u32 v9, v11;
	v12 =	vld.idx.msk [tilespmem:v12+s3+$0x0], $0xffff;
	[tilespmem:v45+s10+$0x0] =	vst.idx.msk $0xffff, v20  }
0xa5: {  	v17 =	vor.u32 v9, v17;
	v16 =	vld.idx.msk [tilespmem:v16+s3+$0x0], $0xffff;
	[tilespmem:v44+s10+$0x0] =	vst.idx.msk $0xffff, v27  }
0xa6: {  	v15 =	vor.u32 v9, v15;
	v14 =	vld.idx.msk [tilespmem:v14+s3+$0x0], $0xffff;
	[tilespmem:v26+s10+$0x0] =	vst.idx.msk $0xffff, v28  }
0xa7: {  	v20 =	vor.u32 v9, v22;
	v18 =	vld.idx.msk [tilespmem:v18+s3+$0x0], $0xffff;
	[tilespmem:v25+s10+$0x0] =	vst.idx.msk $0xffff, v24  }
0xa8: {  	[tilespmem:v10+s10+$0x0] =	vst.idx.msk $0xffff, v13;
	v13 =	vor.u32 v9, v23;
	v10 =	vld.idx.msk [tilespmem:v19+s3+$0x0], $0xffff  }
0xa9: {  	s19 =	smul.u32 $0xC8, s15;
	[tilespmem:v11+s10+$0x0] =	vst.idx.msk $0xffff, v12  }
0xaa: {  	[tilespmem:v17+s10+$0x0] =	vst.idx.msk $0xffff, v16  }
0xab: {  	s19 =	sadd.s32 s4, s19;
	[tilespmem:v15+s10+$0x0] =	vst.idx.msk $0xffff, v14  }
0xac: {  	s19 =	sshll.u32 s19, $0x4;
	[tilespmem:v20+s10+$0x0] =	vst.idx.msk $0xffff, v18  }
0xad: {  	s19 =	sadd.s32 s2, s19;
	[tilespmem:v13+s10+$0x0] =	vst.idx.msk $0xffff, v10  }
0xae: {  	[hbm4b:s19+s3] =	stream.linear.scatter [tilespmem:s10], [sflag:$0x1], $0x3200, $0x38;
	[tilespmem:$0xC960] =	vst v63  }
0xaf: {  	s19 =	simm.s32 @!p0 $0x2  }
0xb0: {  	_ =	swait.ge @!p0 [sflag:s19], $0x3200  }
0xb1: {  	[sflag:s19] =	ssyncset.done @!p0 $0x0  }
0xb2: {  	[sflag:s19] =	ssyncadd.s32 @!p0 $0xFFFFCE00  }
0xb3: {  	v10 =	vld [tilespmem:s17+$0xFFFFFFF0]  }
0xb4: {  	v11 =	vld [tilespmem:s17+$0x0];
	_ =	sdelay $0x3  }
0xb5: {  	v20 =	vshll.u32 v10, $0x4  }
0xb6: {  	s24 =	simm.s32 $0x0;
	v18 =	vshll.u32 v11, $0x4  }
0xb7: {  	s20 =	simm.s32 $0x2;
	v10 =	vmov s24  }
0xb8: {  	v11 =	vmov s20;
	v10 =	vshll.u32 v10, $0x7  }
0xb9: {  	v19 =	vor.u32 v2, v10;
	v10 =	vshll.u32 v11, $0x7  }
0xba: {  	v12 =	vor.u32 v0, v19;
	v22 =	vor.u32 v2, v10;
	v11 =	vld.idx.msk [tilespmem:v20+s3+$0x0], $0xffff  }
0xbb: {  	v10 =	vor.u32 $0x1, v20;
	v14 =	vor.u32 v0, v22;
	v13 =	vld.idx.msk [tilespmem:v18+s3+$0x0], $0xffff  }
0xbc: {  	v15 =	vor.u32 $0x1, v18  }
0xbd: {  	s25 =	sadd.s32 $0x20, s17  }
0xbe: {  	v16 =	vld [tilespmem:s25+$0xFFFFFFF0]  }
0xbf: {  	[tilespmem:v12+s11+$0x0] =	vst.idx.msk $0xffff, v11;
	v11 =	vld [tilespmem:s25+$0x0]  }
0xc0: {  	v17 =	vor.u32 v3, v19;
	[tilespmem:v14+s11+$0x0] =	vst.idx.msk $0xffff, v13;
	v10 =	vld.idx.msk [tilespmem:v10+s3+$0x0], $0xffff  }
0xc1: {  	v21 =	vor.u32 v3, v22;
	v14 =	vor.u32 $0x2, v20;
	v15 =	vld.idx.msk [tilespmem:v15+s3+$0x0], $0xffff  }
0xc2: {  	v23 =	vor.u32 $0x2, v18  }
0xc3: {  	v13 =	vshll.u32 v16, $0x4  }
0xc4: {  	s26 =	simm.s32 $0x4;
	v12 =	vshll.u32 v11, $0x4  }
0xc5: {  	s21 =	simm.s32 $0x6;
	v16 =	vor.u32 v4, v19;
	[tilespmem:v17+s11+$0x0] =	vst.idx.msk $0xffff, v10;
	v10 =	vmov s26  }
0xc6: {  	v11 =	vmov s21;
	[tilespmem:v21+s11+$0x0] =	vst.idx.msk $0xffff, v15;
	v15 =	vor.u32 v4, v22;
	v14 =	vld.idx.msk [tilespmem:v14+s3+$0x0], $0xffff;
	v10 =	vshll.u32 v10, $0x7  }
0xc7: {  	v21 =	vor.u32 $0x3, v20;
	v11 =	vshll.u32 v11, $0x7;
	v17 =	vld.idx.msk [tilespmem:v23+s3+$0x0], $0xffff;
	v10 =	vor.u32 v2, v10  }
0xc8: {  	v25 =	vor.u32 $0x3, v18;
	v23 =	vld.idx.msk [tilespmem:v13+s3+$0x0], $0xffff;
	v11 =	vor.u32 v2, v11;
	v24 =	vor.u32 v0, v10  }
0xc9: {  	v26 =	vor.u32 $0x1, v13;
	v28 =	vor.u32 v0, v11;
	v27 =	vld.idx.msk [tilespmem:v12+s3+$0x0], $0xffff  }
0xca: {  	s19 =	sadd.s32 $0x20, s25;
	v29 =	vor.u32 $0x1, v12  }
0xcb: {  	[tilespmem:v16+s11+$0x0] =	vst.idx.msk $0xffff, v14;
	v14 =	vld [tilespmem:s19+$0xFFFFFFF0]  }
0xcc: {  	[tilespmem:v15+s11+$0x0] =	vst.idx.msk $0xffff, v17;
	v15 =	vor.u32 v5, v19;
	v16 =	vld.idx.msk [tilespmem:v21+s3+$0x0], $0xffff  }
0xcd: {  	v17 =	vld.idx.msk [tilespmem:v25+s3+$0x0], $0xffff;
	v21 =	vor.u32 $0x4, v20;
	[tilespmem:v24+s11+$0x0] =	vst.idx.msk $0xffff, v23;
	v23 =	vor.u32 v5, v22  }
0xce: {  	v25 =	vor.u32 $0x4, v18;
	v24 =	vld.idx.msk [tilespmem:v26+s3+$0x0], $0xffff;
	[tilespmem:v28+s11+$0x0] =	vst.idx.msk $0xffff, v27;
	v26 =	vor.u32 v3, v10  }
0xcf: {  	v28 =	vor.u32 $0x2, v13;
	v27 =	vld.idx.msk [tilespmem:v29+s3+$0x0], $0xffff  }
0xd0: {  	v30 =	vor.u32 v3, v11;
	v29 =	vld [tilespmem:s19+$0x0]  }
0xd1: {  	[tilespmem:v15+s11+$0x0] =	vst.idx.msk $0xffff, v16;
	v15 =	vor.u32 $0x2, v12  }
0xd2: {  	v14 =	vshll.u32 v14, $0x4;
	v21 =	vld.idx.msk [tilespmem:v21+s3+$0x0], $0xffff;
	[tilespmem:v23+s11+$0x0] =	vst.idx.msk $0xffff, v17;
	v17 =	vor.u32 v6, v19  }
0xd3: {  	s28 =	simm.s32 $0x8;
	v31 =	vor.u32 v6, v22;
	v23 =	vld.idx.msk [tilespmem:v25+s3+$0x0], $0xffff;
	v25 =	vor.u32 $0x5, v20;
	[tilespmem:v26+s11+$0x0] =	vst.idx.msk $0xffff, v24  }
0xd4: {  	s30 =	sadd.s32 $0x20, s19;
	v24 =	vor.u32 $0x5, v18;
	v26 =	vld.idx.msk [tilespmem:v28+s3+$0x0], $0xffff;
	v28 =	vmov s28  }
0xd5: {  	v58 =	vld [tilespmem:s30+$0x0];
	v16 =	vshll.u32 v29, $0x4;
	[tilespmem:v30+s11+$0x0] =	vst.idx.msk $0xffff, v27;
	v27 =	vor.u32 v4, v10;
	v28 =	vshll.u32 v28, $0x7  }
0xd6: {  	s29 =	simm.s32 $0xA;
	v30 =	vor.u32 v4, v11;
	v29 =	vld.idx.msk [tilespmem:v15+s3+$0x0], $0xffff;
	v15 =	vor.u32 v2, v28  }
0xd7: {  	v46 =	vld.idx.msk [tilespmem:v14+s3+$0x0], $0xffff;
	v28 =	vor.u32 $0x3, v13;
	[tilespmem:v17+s11+$0x0] =	vst.idx.msk $0xffff, v21;
	v21 =	vor.u32 v0, v15;
	v17 =	vmov s29  }
0xd8: {  	v47 =	vor.u32 $0x3, v12;
	v25 =	vld.idx.msk [tilespmem:v25+s3+$0x0], $0xffff;
	[tilespmem:v31+s11+$0x0] =	vst.idx.msk $0xffff, v23;
	v17 =	vshll.u32 v17, $0x7;
	v31 =	vor.u32 v7, v19  }
0xd9: {  	v50 =	vor.u32 v7, v22;
	v23 =	vor.u32 $0x1, v14;
	v24 =	vld.idx.msk [tilespmem:v24+s3+$0x0], $0xffff;
	v17 =	vor.u32 v2, v17  }
0xda: {  	v48 =	vor.u32 $0x6, v20;
	v49 =	vld.idx.msk [tilespmem:v16+s3+$0x0], $0xffff;
	[tilespmem:v27+s11+$0x0] =	vst.idx.msk $0xffff, v26;
	v27 =	vor.u32 v0, v17  }
0xdb: {  	v51 =	vor.u32 $0x6, v18;
	v26 =	vld [tilespmem:s30+$0xFFFFFFF0];
	[tilespmem:v30+s11+$0x0] =	vst.idx.msk $0xffff, v29  }
0xdc: {  	v52 =	vor.u32 $0x1, v16;
	v28 =	vld.idx.msk [tilespmem:v28+s3+$0x0], $0xffff;
	[tilespmem:v21+s11+$0x0] =	vst.idx.msk $0xffff, v46;
	v21 =	vor.u32 v5, v10  }
0xdd: {  	v53 =	vor.u32 v5, v11;
	v30 =	vor.u32 $0x4, v13;
	v29 =	vld.idx.msk [tilespmem:v47+s3+$0x0], $0xffff;
	[tilespmem:v31+s11+$0x0] =	vst.idx.msk $0xffff, v25  }
0xde: {  	v23 =	vld.idx.msk [tilespmem:v23+s3+$0x0], $0xffff;
	v25 =	vor.u32 v3, v15;
	v31 =	vor.u32 $0x4, v12;
	[tilespmem:v50+s11+$0x0] =	vst.idx.msk $0xffff, v24  }
0xdf: {  	v54 =	vld.idx.msk [tilespmem:v48+s3+$0x0], $0xffff;
	v24 =	vor.u32 $0x2, v14;
	[tilespmem:v27+s11+$0x0] =	vst.idx.msk $0xffff, v49;
	v27 =	vor.u32 v8, v19  }
0xe0: {  	v56 =	vor.u32 $0x7, v20;
	v57 =	vor.u32 v8, v22;
	v55 =	vld.idx.msk [tilespmem:v51+s3+$0x0], $0xffff  }
0xe1: {  	v59 =	vor.u32 v3, v17;
	v35 =	vld.idx.msk [tilespmem:v52+s3+$0x0], $0xffff;
	[tilespmem:v21+s11+$0x0] =	vst.idx.msk $0xffff, v28;
	v28 =	vor.u32 $0x7, v18  }
0xe2: {  	v61 =	vor.u32 v9, v19;
	v60 =	vor.u32 $0x2, v16;
	[tilespmem:v53+s11+$0x0] =	vst.idx.msk $0xffff, v29;
	v30 =	vld.idx.msk [tilespmem:v30+s3+$0x0], $0xffff  }
0xe3: {  	v18 =	vshll.u32 v26, $0x4;
	[tilespmem:v25+s11+$0x0] =	vst.idx.msk $0xffff, v23;
	v23 =	vor.u32 v6, v10;
	v29 =	vld.idx.msk [tilespmem:v31+s3+$0x0], $0xffff  }
0xe4: {  	v62 =	vor.u32 $0x5, v13;
	v63 =	vor.u32 v6, v11;
	v21 =	vshll.u32 v58, $0x4;
	v31 =	vld.idx.msk [tilespmem:v24+s3+$0x0], $0xffff;
	[tilespmem:v27+s11+$0x0] =	vst.idx.msk $0xffff, v54  }
0xe5: {  	s31 =	simm.s32 $0xC;
	v45 =	vor.u32 $0x5, v12;
	v34 =	vor.u32 $0x3, v14;
	v44 =	vor.u32 v4, v15;
	[tilespmem:v57+s11+$0x0] =	vst.idx.msk $0xffff, v55;
	v46 =	vld.idx.msk [tilespmem:v56+s3+$0x0], $0xffff  }
0xe6: {  	v20 =	vor.u32 $0x6, v16;
	v33 =	vor.u32 v4, v17;
	v24 =	vmov s31;
	[tilespmem:v59+s11+$0x0] =	vst.idx.msk $0xffff, v35;
	v26 =	vld.idx.msk [tilespmem:v28+s3+$0x0], $0xffff  }
0xe7: {  	v19 =	vor.u32 $0x6, v12;
	v27 =	vor.u32 v9, v22;
	v22 =	vshll.u32 v24, $0x7;
	v32 =	vld.idx.msk [tilespmem:v60+s3+$0x0], $0xffff  }
0xe8: {  	s19 =	simm.s32 $0xE;
	v25 =	vor.u32 $0x6, v13;
	v38 =	vor.u32 $0x1, v18;
	v22 =	vor.u32 v2, v22;
	v36 =	vld.idx.msk [tilespmem:v18+s3+$0x0], $0xffff;
	[tilespmem:v23+s11+$0x0] =	vst.idx.msk $0xffff, v30  }
0xe9: {  	v35 =	vor.u32 $0x3, v16;
	v37 =	vor.u32 v0, v22;
	v39 =	vld.idx.msk [tilespmem:v21+s3+$0x0], $0xffff;
	v23 =	vmov s19;
	[tilespmem:v63+s11+$0x0] =	vst.idx.msk $0xffff, v29  }
0xea: {  	v24 =	vor.u32 $0x6, v21;
	v30 =	vor.u32 v7, v10;
	v28 =	vld.idx.msk [tilespmem:v62+s3+$0x0], $0xffff;
	v23 =	vshll.u32 v23, $0x7;
	[tilespmem:v44+s11+$0x0] =	vst.idx.msk $0xffff, v31  }
0xeb: {  	s18 =	sor.u32 $0x1, s18;
	s20 =	simm.s32 $0x6;
	s21 =	sadd.s32 $0x20, s30;
	v29 =	vld.idx.msk [tilespmem:v45+s3+$0x0], $0xffff;
	v31 =	vor.u32 v7, v11;
	v23 =	vor.u32 v2, v23;
	[tilespmem:v61+s11+$0x0] =	vst.idx.msk $0xffff, v46  }
.LBB2_7:
0xec: {  	v40 =	vld [tilespmem:s21+$0xFFFFFFF0];
	s20 =	sadd.s32 $0x2, s20;
	v41 =	vor.u32 v0, v23;
	[tilespmem:v27+s11+$0x0] =	vst.idx.msk $0xffff, v26  }
0xed: {  	v26 =	vor.u32 $0x1, v21;
	p0 =	slt.u32 s20, $0x30;
	v27 =	vld.idx.msk [tilespmem:v34+s3+$0x0], $0xffff;
	[tilespmem:v33+s11+$0x0] =	vst.idx.msk $0xffff, v32  }
0xee: {  	v32 =	vor.u32 v5, v15;
	[tilespmem:v37+s11+$0x0] =	vst.idx.msk $0xffff, v36;
	v33 =	vld.idx.msk [tilespmem:v35+s3+$0x0], $0xffff  }
0xef: {  	v35 =	vor.u32 $0x4, v14;
	v36 =	vor.u32 v5, v17;
	v34 =	vld.idx.msk [tilespmem:v38+s3+$0x0], $0xffff;
	[tilespmem:v30+s11+$0x0] =	vst.idx.msk $0xffff, v28  }
0xf0: {  	v28 =	vor.u32 v3, v22;
	v30 =	vor.u32 $0x4, v16;
	v25 =	vld.idx.msk [tilespmem:v25+s3+$0x0], $0xffff;
	[tilespmem:v31+s11+$0x0] =	vst.idx.msk $0xffff, v29  }
0xf1: {  	v29 =	vor.u32 $0x2, v18;
	v31 =	vor.u32 v8, v10;
	[tilespmem:v41+s11+$0x0] =	vst.idx.msk $0xffff, v39;
	v37 =	vld.idx.msk [tilespmem:v19+s3+$0x0], $0xffff;
	v19 =	vmov v20  }
0xf2: {  	v38 =	vor.u32 $0x7, v13;
	v13 =	vmovc v14;
	v14 =	vmovc v18;
	v39 =	vor.u32 v8, v11;
	v20 =	vmov v24;
	v26 =	vld.idx.msk [tilespmem:v26+s3+$0x0], $0xffff  }
0xf3: {  	v41 =	vor.u32 v3, v23;
	v24 =	vld [tilespmem:s21+$0x0];
	[tilespmem:v32+s11+$0x0] =	vst.idx.msk $0xffff, v27;
	v27 =	vor.u32 $0x7, v12;
	v12 =	vmovc v16;
	v16 =	vmov v21  }
0xf4: {  	v42 =	vor.u32 v9, v10;
	v10 =	vmov v15;
	v32 =	vor.u32 $0x2, v16;
	v35 =	vld.idx.msk [tilespmem:v35+s3+$0x0], $0xffff;
	[tilespmem:v36+s11+$0x0] =	vst.idx.msk $0xffff, v33  }
0xf5: {  	v15 =	vmov v22;
	v18 =	vshll.u32 v40, $0x4;
	[tilespmem:v28+s11+$0x0] =	vst.idx.msk $0xffff, v34;
	v28 =	vor.u32 v6, v10;
	v30 =	vld.idx.msk [tilespmem:v30+s3+$0x0], $0xffff  }
0xf6: {  	s19 =	sadd.s32 $0x4, s19;
	v43 =	vor.u32 v6, v17;
	v40 =	vor.u32 $0x5, v13;
	v29 =	vld.idx.msk [tilespmem:v29+s3+$0x0], $0xffff;
	[tilespmem:v31+s11+$0x0] =	vst.idx.msk $0xffff, v25  }
0xf7: {  	s22 =	sadd.s32 $0xFFFFFFFE, s19;
	v44 =	vor.u32 $0x5, v12;
	v31 =	vor.u32 v4, v15;
	v45 =	vld.idx.msk [tilespmem:v38+s3+$0x0], $0xffff;
	[tilespmem:v39+s11+$0x0] =	vst.idx.msk $0xffff, v37  }
0xf8: {  	v22 =	vmov s22;
	v21 =	vshll.u32 v24, $0x4;
	[tilespmem:v41+s11+$0x0] =	vst.idx.msk $0xffff, v26;
	v26 =	vld.idx.msk [tilespmem:v27+s3+$0x0], $0xffff;
	v27 =	vor.u32 v9, v11;
	v11 =	vmovc v17  }
.Ltmp2:
0xf9: {  	v22 =	vshll.u32 v22, $0x7;
	v33 =	vor.u32 v4, v23;
	v17 =	vmovc v23;
	v24 =	vor.u32 $0x6, v21;
	v32 =	vld.idx.msk [tilespmem:v32+s3+$0x0], $0xffff;
	(pc) =	sbr.rel @p0 .LBB2_7-.Ltmp2, $4  }
0xfa: {  	v22 =	vor.u32 v2, v22;
	v34 =	vor.u32 $0x3, v14;
	v25 =	vor.u32 $0x6, v13;
	v36 =	vld.idx.msk [tilespmem:v18+s3+$0x0], $0xffff;
	[tilespmem:v28+s11+$0x0] =	vst.idx.msk $0xffff, v35  }
0xfb: {  	v37 =	vor.u32 v0, v22;
	v23 =	vmov s19;
	v35 =	vor.u32 $0x3, v16;
	v28 =	vld.idx.msk [tilespmem:v40+s3+$0x0], $0xffff;
	[tilespmem:v43+s11+$0x0] =	vst.idx.msk $0xffff, v30  }
0xfc: {  	v38 =	vor.u32 $0x1, v18;
	v23 =	vshll.u32 v23, $0x7;
	v30 =	vor.u32 v7, v10;
	[tilespmem:v31+s11+$0x0] =	vst.idx.msk $0xffff, v29;
	v29 =	vld.idx.msk [tilespmem:v44+s3+$0x0], $0xffff  }
0xfd: {  	s21 =	sadd.s32 $0x20, s21;
	v23 =	vor.u32 v2, v23;
	v31 =	vor.u32 v7, v11;
	v39 =	vld.idx.msk [tilespmem:v21+s3+$0x0], $0xffff;
	[tilespmem:v42+s11+$0x0] =	vst.idx.msk $0xffff, v45  }
0xfe: {  	v40 =	vor.u32 v0, v23  }
0xff: {  	v41 =	vor.u32 $0x1, v21;
	_ =	sdelay $0x2  }
0x100: {  	[tilespmem:v37+s11+$0x0] =	vst.idx.msk $0xffff, v36  }
0x101: {  	v57 =	vor.u32 v3, v22;
	v36 =	vld.idx.msk [tilespmem:v38+s3+$0x0], $0xffff;
	[tilespmem:v40+s11+$0x0] =	vst.idx.msk $0xffff, v39  }
0x102: {  	v58 =	vor.u32 $0x2, v18;
	v59 =	vor.u32 v3, v23;
	v39 =	vld.idx.msk [tilespmem:v41+s3+$0x0], $0xffff  }
0x103: {  	v60 =	vor.u32 $0x2, v21;
	_ =	sdelay $0x2  }
0x104: {  	[tilespmem:v57+s11+$0x0] =	vst.idx.msk $0xffff, v36  }
0x105: {  	v61 =	vor.u32 v4, v22;
	v36 =	vld.idx.msk [tilespmem:v58+s3+$0x0], $0xffff;
	[tilespmem:v59+s11+$0x0] =	vst.idx.msk $0xffff, v39  }
0x106: {  	v63 =	vor.u32 v4, v23;
	v45 =	vor.u32 $0x3, v18;
	v62 =	vld.idx.msk [tilespmem:v60+s3+$0x0], $0xffff  }
0x107: {  	v46 =	vor.u32 $0x3, v21  }
0x108: {  	[tilespmem:v33+s11+$0x0] =	vst.idx.msk $0xffff, v32  }
0x109: {  	v42 =	vor.u32 v5, v17;
	v33 =	vld.idx.msk [tilespmem:v35+s3+$0x0], $0xffff  }
0x10a: {  	v34 =	vld.idx.msk [tilespmem:v34+s3+$0x0], $0xffff;
	v47 =	vor.u32 v5, v15;
	v49 =	vor.u32 $0x4, v16;
	[tilespmem:v61+s11+$0x0] =	vst.idx.msk $0xffff, v36  }
0x10b: {  	v48 =	vor.u32 $0x4, v14;
	v50 =	vor.u32 v5, v22;
	v37 =	vld.idx.msk [tilespmem:v45+s3+$0x0], $0xffff;
	[tilespmem:v63+s11+$0x0] =	vst.idx.msk $0xffff, v62  }
0x10c: {  	v51 =	vor.u32 $0x4, v18;
	v52 =	vor.u32 v5, v23;
	v39 =	vld.idx.msk [tilespmem:v46+s3+$0x0], $0xffff  }
0x10d: {  	v43 =	vor.u32 $0x4, v21  }
0x10e: {  	[tilespmem:v42+s11+$0x0] =	vst.idx.msk $0xffff, v33  }
0x10f: {  	v56 =	vor.u32 v6, v17;
	[tilespmem:v47+s11+$0x0] =	vst.idx.msk $0xffff, v34;
	v54 =	vld.idx.msk [tilespmem:v49+s3+$0x0], $0xffff  }
0x110: {  	v53 =	vor.u32 v6, v15;
	v32 =	vld.idx.msk [tilespmem:v48+s3+$0x0], $0xffff;
	v57 =	vor.u32 $0x5, v16;
	[tilespmem:v50+s11+$0x0] =	vst.idx.msk $0xffff, v37  }
0x111: {  	v55 =	vor.u32 $0x5, v14;
	v58 =	vor.u32 v6, v22;
	v38 =	vld.idx.msk [tilespmem:v51+s3+$0x0], $0xffff;
	[tilespmem:v52+s11+$0x0] =	vst.idx.msk $0xffff, v39  }
0x112: {  	v60 =	vor.u32 $0x5, v18;
	v61 =	vor.u32 v6, v23;
	v59 =	vld.idx.msk [tilespmem:v43+s3+$0x0], $0xffff  }
0x113: {  	[tilespmem:v27+s11+$0x0] =	vst.idx.msk $0xffff, v26;
	v62 =	vor.u32 $0x5, v21  }
0x114: {  	[tilespmem:v56+s11+$0x0] =	vst.idx.msk $0xffff, v54  }
0x115: {  	[tilespmem:v53+s11+$0x0] =	vst.idx.msk $0xffff, v32;
	v34 =	vld.idx.msk [tilespmem:v57+s3+$0x0], $0xffff;
	v45 =	vor.u32 v7, v17  }
0x116: {  	v63 =	vld.idx.msk [tilespmem:v55+s3+$0x0], $0xffff;
	v43 =	vor.u32 v7, v15;
	[tilespmem:v58+s11+$0x0] =	vst.idx.msk $0xffff, v38  }
0x117: {  	v44 =	vor.u32 $0x6, v14;
	v47 =	vor.u32 v7, v22;
	v46 =	vld.idx.msk [tilespmem:v60+s3+$0x0], $0xffff;
	[tilespmem:v61+s11+$0x0] =	vst.idx.msk $0xffff, v59  }
0x118: {  	[tilespmem:v30+s11+$0x0] =	vst.idx.msk $0xffff, v28;
	v48 =	vor.u32 $0x6, v18;
	v49 =	vor.u32 v7, v23;
	v26 =	vld.idx.msk [tilespmem:v62+s3+$0x0], $0xffff  }
0x119: {  	v25 =	vld.idx.msk [tilespmem:v25+s3+$0x0], $0xffff;
	[tilespmem:v31+s11+$0x0] =	vst.idx.msk $0xffff, v29;
	v50 =	vor.u32 v8, v10  }
0x11a: {  	v13 =	vor.u32 $0x7, v13;
	v19 =	vld.idx.msk [tilespmem:v19+s3+$0x0], $0xffff;
	[tilespmem:v45+s11+$0x0] =	vst.idx.msk $0xffff, v34;
	v51 =	vor.u32 v8, v11  }
0x11b: {  	v12 =	vor.u32 $0x7, v12;
	v54 =	vor.u32 v8, v17;
	v20 =	vld.idx.msk [tilespmem:v20+s3+$0x0], $0xffff;
	[tilespmem:v43+s11+$0x0] =	vst.idx.msk $0xffff, v63  }
0x11c: {  	v55 =	vor.u32 $0x7, v16;
	v52 =	vor.u32 v8, v15;
	v27 =	vld.idx.msk [tilespmem:v44+s3+$0x0], $0xffff;
	[tilespmem:v47+s11+$0x0] =	vst.idx.msk $0xffff, v46  }
0x11d: {  	v53 =	vor.u32 $0x7, v14;
	v56 =	vor.u32 v8, v22;
	v28 =	vld.idx.msk [tilespmem:v48+s3+$0x0], $0xffff;
	[tilespmem:v49+s11+$0x0] =	vst.idx.msk $0xffff, v26  }
0x11e: {  	v57 =	vor.u32 $0x7, v18;
	[tilespmem:v50+s11+$0x0] =	vst.idx.msk $0xffff, v25;
	v58 =	vor.u32 v8, v23;
	v24 =	vld.idx.msk [tilespmem:v24+s3+$0x0], $0xffff  }
0x11f: {  	v10 =	vor.u32 v9, v10;
	v13 =	vld.idx.msk [tilespmem:v13+s3+$0x0], $0xffff;
	[tilespmem:v51+s11+$0x0] =	vst.idx.msk $0xffff, v19;
	v59 =	vor.u32 $0x7, v21  }
0x120: {  	v11 =	vor.u32 v9, v11;
	[tilespmem:v54+s11+$0x0] =	vst.idx.msk $0xffff, v20;
	v12 =	vld.idx.msk [tilespmem:v12+s3+$0x0], $0xffff  }
0x121: {  	v16 =	vld.idx.msk [tilespmem:v55+s3+$0x0], $0xffff;
	v61 =	vor.u32 v9, v17;
	[tilespmem:v52+s11+$0x0] =	vst.idx.msk $0xffff, v27  }
0x122: {  	v60 =	vor.u32 v9, v15;
	v14 =	vld.idx.msk [tilespmem:v53+s3+$0x0], $0xffff;
	[tilespmem:v56+s11+$0x0] =	vst.idx.msk $0xffff, v28  }
0x123: {  	v62 =	vor.u32 v9, v22;
	v18 =	vld.idx.msk [tilespmem:v57+s3+$0x0], $0xffff;
	[tilespmem:v58+s11+$0x0] =	vst.idx.msk $0xffff, v24  }
0x124: {  	s18 =	smul.u32 $0x64, s18;
	s15 =	sadd.s32 $0x1, s15;
	v63 =	vor.u32 v9, v23;
	[tilespmem:v10+s11+$0x0] =	vst.idx.msk $0xffff, v13;
	v10 =	vld.idx.msk [tilespmem:v59+s3+$0x0], $0xffff  }
0x125: {  	p0 =	sne.s32 s15, $0x10;
	[tilespmem:v11+s11+$0x0] =	vst.idx.msk $0xffff, v12  }
.Ltmp3:
0x126: {  	s18 =	sadd.s32 s4, s18;
	[tilespmem:v61+s11+$0x0] =	vst.idx.msk $0xffff, v16;
	(pc) =	sbr.rel @p0 .LBB2_4-.Ltmp3, $4  }
0x127: {  	s18 =	sshll.u32 s18, $0x4;
	[tilespmem:v60+s11+$0x0] =	vst.idx.msk $0xffff, v14  }
0x128: {  	s18 =	sand.u32 $0x1FFFFFC0, s18;
	[tilespmem:v62+s11+$0x0] =	vst.idx.msk $0xffff, v18  }
0x129: {  	s16 =	sadd.s32 $0x640, s16;
	s17 =	sadd.s32 $0x640, s17;
	s18 =	sadd.s32 s2, s18;
	[tilespmem:v63+s11+$0x0] =	vst.idx.msk $0xffff, v10  }
0x12a: {  	[hbm4b:s18+s3] =	stream.linear.scatter [tilespmem:s11], [sflag:$0x2], $0x3200, $0x38;
	[tilespmem:$0xC960] =	vst v63  }
0x12b: {  	s14 =	sadd.s32 $0x1, s14  }
0x12c: {  	_ =	swait.ge [sflag:s12], $0x3200;
	p0 =	sne.s32 s14, s7  }
.Ltmp4:
0x12d: {  	[sflag:s12] =	ssyncset.done $0x0;
	(pc) =	sbr.rel @p0 .LBB2_1-.Ltmp4, $4  }
0x12e: {  	[sflag:s12] =	ssyncadd.s32 $0xFFFFCE00  }
0x12f: {  	_ =	swait.ge [sflag:s13], $0x3200  }
0x130: {  	[sflag:s13] =	ssyncset.done $0x0  }
0x131: {  	[sflag:s13] =	ssyncadd.s32 $0xFFFFCE00  }
0x132: {  	_ =	sfence.sel $0x180000  }
0x133: {  	[bflag:$0x0] =	sbarrier.arrive $0xFFFF  }
0x134: {  	p0 =	sne.s32 s0, $0x0;
	_ =	strace $0x90000047  }
0x135: {  	s0 =	sadd.s32 @!p0 $0x100000, s1;
	[bflag:$0x2] =	sbarrier.arrive $0xFFFF  }
0x136: {  	[sflag:s0] =	ssyncadd.tile.s32 @!p0 $0x1;
	_ =	shalt  }
.Lfunc_end2:
_tile_overlayer_lowered:
.L_overlay_start_2:
0x137: {  	(tag) =	ssettag $0x2  }
0x138: {  	s0 =	rddreg [dreg:$0x0];
	s2 =	stileid.u32  }
0x139: {  	s1 =	rddreg [dreg:$0x1];
	p0 =	sne.s32 s2, $0x0  }
0x13a: {  	s3 =	rddreg [dreg:$0x2];
	[bflag:$0x3] =	sbarrier.arrive $0xFFFF;
	s2 =	simm.s32 @!p0 $0x1C03  }
0x13b: {  	[timem:s3], [sflag:s2] =	dma.local @!p0 [hbm:s0], s1  }
0x13c: {  	s0 =	simm.s32 @!p0 $0x3  }
0x13d: {  	_ =	swait.ge @!p0 [sflag:s0], s1  }
0x13e: {  	s1 =	ssub.s32 @!p0 $0x0, s1;
	[sflag:s0] =	ssyncset.done @!p0 $0x0  }
0x13f: {  	[sflag:s0] =	ssyncadd.s32 @!p0 s1  }
0x140: {  	[bflag:$0x3] =	sbarrier.arrive $0xFFFF  }
0x141: {  	_ =	shalt  }

// kernel: sparse-core-data-format-call.cloned.1.call-start
scs
called_computation_lowered:
.L_overlay_start_0:
0x0: {  	s2 =	sld [smem:$0x3FD9]  }
0x1: {  	s3 =	sld [smem:$0x3FFE];
	_ =	sdelay $0x1  }
0x2: {  	s1 =	srdreg.scid  }
0x3: {  	s0 =	sand.u32 $0x1, s1  }
0x4: {  	s18 =	sshll.u32 s0, $0xA;
	s2 =	sadd.s32 s3, s2  }
0x5: {  	s2 =	sadd.s32 s2, s18  }
0x6: {  	[smem:$0x3FC4] =	sst s2  }
0x7: {  	_ = 	snop  }
0x8: {  	s2 =	sld [smem:$0x3FD0];
	(tm) =	ssettm $0x1  }
0x9: {  	s19 =	sld [smem:$0x3FFB];
	_ =	sdelay $0x3  }
0xa: {  	_ =	strace s19  }
0xb: {  	s3 =	sld [smem:$0x3FFC];
	_ =	sdelay $0x3  }
0xc: {  	_ =	strace s3  }
0xd: {  	s3 =	sld [smem:$0x3FFD];
	_ =	sdelay $0x3  }
0xe: {  	_ =	strace s3  }
0xf: {  	_ =	strace $0x8FFFFFFF  }
0x10: {  	s20 =	sld [smem:$0x3FDB];
	_ =	sdelay $0x1  }
0x11: {  	s4 =	simm.s32 $_scs_section_size  }
0x12: {  	s5 =	simm.s32 $_size__tile_overlayer_lowered;
	s6 =	simm.s32 $_tile_overlayer_lowered  }
0x13: {  	s23 =	simm.s32 $0x1BFF;
	s22 =	sshll.u32 s6, $0x1;
	s3 =	sadd.s32 s4, s20  }
0x14: {  	s7 =	simm.s32 $0x0;
	s21 =	sshll.u32 s5, $0x1;
	s5 =	sadd.s32 s22, s3  }
0x15: {  	[timem:s7], [sflag:s23] =	dma.local [hbm:s5], s21  }
0x16: {  	_ =	swait.ge [sflag:s23], s21  }
0x17: {  	s4 =	ssub.s32 $0x0, s21;
	[sflag:s23] =	ssyncset.done $0x0  }
0x18: {  	[sflag:s23] =	ssyncadd.s32 s4;
	_ =	sdelay $0x1  }
0x19: {  	s24 =	simm.s32 $0x1B8B  }
0x1a: {  	_ =	swait.ge [sflag:s24], $0x1  }
0x1b: {  	[sflag:s24] =	ssyncset.done $0x0  }
0x1c: {  	s26 =	simm.s32 $0x1B8E;
	s25 =	sld [smem:$0x3FFE];
	[sflag:s24] =	ssyncadd.s32 $0xFFFFFFFF  }
0x1d: {  	s27 =	simm.s32 $execute0_lowered;
	[smem:$0x3FD2] =	sst s26  }
0x1e: {  	s5 =	sshll.u32 s27, $0x1;
	_ =	strace $0x80000049;
	[dreg:$0x1] =	wrdreg $0xFFFFFFFF  }
0x1f: {  	s28 =	simm.s32 $_size_execute0_lowered;
	s3 =	sadd.s32 s3, s5;
	[dreg:$0x0] =	wrdreg $0x0  }
0x20: {  	s5 =	sshll.u32 s28, $0x1;
	[dreg:$0x2] =	wrdreg s3  }
0x21: {  	[dreg:$0x3] =	wrdreg s5  }
0x22: {  	[dreg:$0x4] =	wrdreg $0xC0  }
0x23: {  	_ =	task [dreg:s7], $0x5FFFF  }
0x24: {  	[dreg:$0x1] =	wrdreg $0xFFFFFFFF  }
0x25: {  	[dreg:$0x0] =	wrdreg $0x60  }
0x26: {  	[dreg:$0x2] =	wrdreg s25  }
0x27: {  	[dreg:$0x3] =	wrdreg s2  }
0x28: {  	[dreg:$0x4] =	wrdreg $0x9  }
0x29: {  	_ =	task.clear_ibuf [dreg:s7], $0x5FFFF;
	_ =	strace $0x90000049  }
0x2a: {  	s29 =	simm.s32 $0x9;
	_ =	strace $0x8000004B  }
0x2b: {  	_ =	swait.ge [sflag:s29], $0x1  }
0x2c: {  	[sflag:s29] =	ssyncadd.s32 $0xFFFFFFFF  }
0x2d: {  	_ =	strace $0x9000004B  }
0x2e: {  	_ =	sfence  }
0x2f: {  	s30 =	sld [smem:$0x0];
	_ =	sdelay $0x2  }
0x30: {  	s31 =	sshll.u32 s1, $0xD;
	s1 =	sshrl.u32 s1, $0x2  }
0x31: {  	s3 =	sand.u32 $0x4000, s31;
	s1 =	sadd.s32 s1, s30  }
0x32: {  	s0 =	sor.u32 s3, s0;
	s1 =	sshll.u32 s1, $0x11  }
0x33: {  	s0 =	sor.u32 s1, s0  }
0x34: {  	s0 =	sadd.s32 $0x8F2B, s0  }
0x35: {  	[sflag:s0] =	ssyncadd.remote.s32 $0x1  }
0x36: {  	_ =	sfence.sel $0xFFFF  }
0x37: {  	[dreg:$0x0] =	wrdreg $0xFFFFFFFF;
	(pc) =	sbr.abs _section_cstart, $3  }
0x38: {  	[dreg:$0x1] =	wrdreg $0xFFFFFFFF  }
0x39: {  	_ =	task.clear_ibuf [dreg:s7], $0x2FFFF;
	_ =	strace $0x9FFFFFFF  }
0x3a: {  	(tm) =	ssettm $0x7FFFFFFF  }
0x3b: {  	_ =	shalt  }
tec
execute0_lowered:
.L_overlay_start_1:
0x0: {  	(tag) =	ssettag $0x1  }
0x1: {  	s0 =	srdreg.scid  }
0x2: {  	s1 =	sshll.u32 s0, $0x4  }
0x3: {  	s0 =	stileid.u32;
	s1 =	sand.u32 $0x10, s1  }
0x4: {  	s1 =	sor.u32 s0, s1  }
0x5: {  	s6 =	rddreg [dreg:$0x0];
	s4 =	simm.s32 $0x1;
	s2 =	sshll.u32 s1, $0x7  }
0x6: {  	s7 =	simm.s32 $0x2;
	s12 =	simm.s32 $0x0;
	s1 =	ssub.s32 $0x1000, s2  }
0x7: {  	s8 =	simm.s32 $0x8000;
	s13 =	simm.s32 $0x0;
	s3 =	sand.u32 $0xF80, s1  }
0x8: {  	s9 =	simm.s32 $0x0;
	s5 =	sshrl.u32 s1, $0xC;
	p0 =	sne.s32 s3, $0x0  }
.Ltmp0:
0x9: {  	s1 =	rddreg [dreg:$0x2];
	s4 =	simm.s32 @!p0 $0x0;
	(pc) =	sbr.rel .LBB1_1-.Ltmp0, $4  }
0xa: {  	s11 =	simm.s32 $0x0;
	s3 =	rddreg [dreg:$0x1];
	s5 =	sadd.s32 s4, s5  }
0xb: {  	_ =	strace $0x8000004A;
	s4 =	simm.s32 $0x1;
	s5 =	smul.u32 $0xC8, s5  }
0xc: {  	s6 =	sadd.s32 $0xC00, s6;
	s10 =	smov.u32 s2;
	[sflag:s4] =	ssyncpa.u1 $0x0  }
0xd: {  	p0 =	por $0x0, $0x0;
	[sflag:s7] =	ssyncpa.u1 $0x0;
	s7 =	sor.u32 $0x1, s5  }
.LBB1_4:
0xe: {  	s16 =	sshll.u32 s13, $0x3;
	s17 =	sand.u32 $0x78, s13  }
0xf: {  	s30 =	sand.u32 $0x7E00, s13;
	s12 =	sshll.u32 s12, $0xF;
	s16 =	sand.u32 $0xC00, s16  }
0x10: {  	[tilespmem:s15+$0x810 ss:$0x81] =	vst.msk $0xffff, v2;
	s31 =	sand.u32 $0x7, s13;
	s16 =	sor.u32 s17, s16;
	s17 =	sadd.s32 s3, s30  }
0x11: {  	[tilespmem:s15+$0x1020 ss:$0x81] =	vst.msk $0xffff, v0;
	s13 =	sshll.u32 s31, $0x12;
	s12 =	sadd.s32 s12, s17;
	s16 =	sshrl.u32 s16, $0x3  }
0x12: {  	[tilespmem:s15+$0x0 ss:$0x81] =	vst.msk $0xffff, v1;
	s13 =	sor.u32 $0x400, s13;
	s12 =	sadd.s32 s16, s12  }
0x13: {  	[hbm4b:s12+s13] =	stream.strided.scatter [tilespmem:s14], [sflag:$0x2], $0x2000, s8, s13, $0x20;
	[tilespmem:$0x8080] =	vst v63  }
.LBB1_5:
0x14: {  	s14 =	sadd.s32 $0x1, s9  }
0x15: {  	s12 =	sadd.s32 $0x1000, s10;
	s16 =	smov.u32 s10;
	p2 =	sgt.s32 s14, $0xC7  }
0x16: {  	s16 =	smov.u32 @p2 s12  }
0x17: {  	s14 =	simm.s32 @p2 $0x0;
	p2 =	sgt.s32 s16, $0xFFF  }
0x18: {  	s16 =	smov.u32 @p2 s2;
	p2 =	sne.s32 s11, s7  }
.Ltmp1:
0x19: {  	p1 =	slt.u32 s11, $0x2;
	(pc) =	sbr.rel @!p2 .LBB1_6-.Ltmp1, $4  }
0x1a: {  	s15 =	simm.s32 @!p1 $0x2  }
0x1b: {  	s13 =	smov.u32 s10;
	p0 =	por !p0, !p0;
	_ =	swait.ge @!p1 [sflag:s15], $0x2000  }
0x1c: {  	s12 =	smov.u32 s9;
	[sflag:s15] =	ssyncset.done @!p1 $0x0;
	s9 =	smov.u32 s14  }
0x1d: {  	s11 =	sadd.s32 $0x1, s11;
	[sflag:s15] =	ssyncadd.s32 @!p1 $0xFFFFE000;
	s10 =	smov.u32 s16  }
.LBB1_1:
0x1e: {  	p1 =	sge.u32 s11, s5  }
0x1f: {  	s14 =	sand.u32 @!p1 $0x1FFFFFF, s9  }
0x20: {  	s15 =	smulhi.u32 @!p1 $0x147AE15, s14;
	_ =	sdelay $0x1  }
0x21: {  	s15 =	smul.u32 @!p1 $0xC8, s15  }
0x22: {  	s16 =	sxor.u32 @!p1 $0xFFFFFFFF, s11;
	s17 =	smul.u32 @!p1 $0xC80, s10  }
0x23: {  	s31 =	sadd.s32 $0xFFFFFFFF, s11;
	s16 =	sshll.u32 @!p1 s16, $0xD;
	s14 =	ssub.s32 @!p1 s14, s15  }
0x24: {  	s15 =	sand.u32 @!p1 $0x2000, s16;
	s16 =	sadd.s32 @!p1 s6, s17;
	s14 =	sshll.u32 @!p1 s14, $0x4  }
0x25: {  	s17 =	simm.s32 @!p1 $0x6400;
	s14 =	sadd.s32 @!p1 s14, s16;
	s16 =	simm.s32 @!p1 $0x40  }
0x26: {  	[tilespmem:s15], [sflag:$0x1] =	stream.strided.gather @!p1 [hbm4b:s14+s16], $0x2000, s17, s16, $0x38;
	[tilespmem:$0x8080] =	vst v63  }
0x27: {  	p1 =	sge.u32 s31, s5  }
.Ltmp2:
0x28: {  	_ = 	snop;
	(pc) =	sbr.rel @p1 .LBB1_5-.Ltmp2, $1  }
0x29: {  	_ =	sdelay $0x3  }
0x2a: {  	s14 =	simm.s32 $0x1  }
0x2b: {  	_ =	swait.ge [sflag:s4], $0x2000;
	s14 =	simm.s32 @!p0 $0x0  }
0x2c: {  	[sflag:s4] =	ssyncset.done $0x0;
	s15 =	sshll.u32 s14, $0xD  }
0x2d: {  	[sflag:s4] =	ssyncadd.s32 $0xFFFFE000;
	s18 =	sor.u32 $0x20, s15  }
0x2e: {  	s14 =	smul.u32 $0x8100, s14;
	v3 =	vld [tilespmem:s18+$0x10]  }
0x2f: {  	s30 =	sand.u32 $0x1, s11;
	v2 =	vld [tilespmem:s18+$0xFFFFFFF0]  }
0x30: {  	s15 =	smul.u32 $0x8100, s30;
	s14 =	sshrl.u32 s14, $0x2;
	v0 =	vld [tilespmem:s18+$0x0]  }
0x31: {  	v1 =	vld [tilespmem:s18+$0xFFFFFFE0];
	s16 =	sor.u32 $0x4000, s14  }
0x32: {  	s31 =	sshrl.u32 s15, $0x2;
	s15 =	sadd.s32 $0x0, s16  }
0x33: {  	s17 =	simm.s32 $0x4;
	s18 =	sadd.s32 $0x40, s18;
	s14 =	sor.u32 $0x4000, s31;
	[tilespmem:s15+$0x1830 ss:$0x81] =	vst.msk $0xffff, v3  }
.LBB1_3:
0x34: {  	v3 =	vld [tilespmem:s18+$0x10];
	p1 =	sne.s32 s17, $0x1FC;
	[tilespmem:s15+$0x810 ss:$0x81] =	vst.msk $0xffff, v2;
	s19 =	smov.u32 s17;
	s17 =	sadd.s32 $0x4, s17  }
.Ltmp3:
0x35: {  	v2 =	vld [tilespmem:s18+$0xFFFFFFF0];
	[tilespmem:s15+$0x1020 ss:$0x81] =	vst.msk $0xffff, v0;
	(pc) =	sbr.rel @p1 .LBB1_3-.Ltmp3, $4  }
0x36: {  	v0 =	vld [tilespmem:s18+$0x0];
	[tilespmem:s15+$0x0 ss:$0x81] =	vst.msk $0xffff, v1  }
0x37: {  	s15 =	sshra.s32 s19, $0x2;
	v1 =	vld [tilespmem:s18+$0xFFFFFFE0]  }
0x38: {  	s15 =	sadd.s32 s15, s16  }
0x39: {  	s18 =	sadd.s32 $0x40, s18;
	[tilespmem:s15+$0x1830 ss:$0x81] =	vst.msk $0xffff, v3  }
.Ltmp4:
0x3a: {  	_ = 	snop;
	(pc) =	sbr.rel .LBB1_4-.Ltmp4, $1  }
0x3b: {  	_ =	sdelay $0x3  }
.LBB1_6:
0x3c: {  	_ =	sfence.sel $0x180000  }
0x3d: {  	s2 =	simm.s32 $0x1;
	[bflag:$0x0] =	sbarrier.arrive $0xFFFF  }
0x3e: {  	s31 =	simm.s32 $0x2;
	[sflag:s2] =	ssyncpa.u1 $0x1  }
0x3f: {  	[sflag:s31] =	ssyncpa.u1 $0x1  }
0x40: {  	p0 =	sne.s32 s0, $0x0;
	_ =	strace $0x9000004A  }
0x41: {  	s0 =	sadd.s32 @!p0 $0x100000, s1;
	[bflag:$0x2] =	sbarrier.arrive $0xFFFF  }
0x42: {  	[sflag:s0] =	ssyncadd.tile.s32 @!p0 $0x1;
	_ =	shalt  }
.Lfunc_end1:
_tile_overlayer_lowered:
.L_overlay_start_2:
0x43: {  	(tag) =	ssettag $0x2  }
0x44: {  	s0 =	rddreg [dreg:$0x0];
	s2 =	stileid.u32  }
0x45: {  	s1 =	rddreg [dreg:$0x1];
	p0 =	sne.s32 s2, $0x0  }
0x46: {  	s3 =	rddreg [dreg:$0x2];
	[bflag:$0x3] =	sbarrier.arrive $0xFFFF;
	s2 =	simm.s32 @!p0 $0x1C01  }
0x47: {  	[timem:s3], [sflag:s2] =	dma.local @!p0 [hbm:s0], s1  }
0x48: {  	s0 =	simm.s32 @!p0 $0x1  }
0x49: {  	_ =	swait.ge @!p0 [sflag:s0], s1  }
0x4a: {  	s1 =	ssub.s32 @!p0 $0x0, s1;
	[sflag:s0] =	ssyncset.done @!p0 $0x0  }
0x4b: {  	[sflag:s0] =	ssyncadd.s32 @!p0 s1  }
0x4c: {  	[bflag:$0x3] =	sbarrier.arrive $0xFFFF  }
0x4d: {  	_ =	shalt  }

</sc_bundles>
